<compile_context>
chip_gen: v7x
topology: tpu7x:2x2x1
jax: 0.10.2.dev20260603
libtpu: 0.0.44.dev20260713+nightly
codegen_flags: <defaults>
</compile_context>

<pallas_src>
import functools

import numpy as np

import jax
import jax.numpy as jnp
from jax import lax
from jax.experimental import pallas as pl
from jax.experimental.pallas import tpu as pltpu
from jax.experimental.pallas import tpu_sc as plsc

GH = 52
GW = 52
G = GH * GW
NA = 5
GA = G * NA
NC = 5
ROW = GA * NC
ANCW = (0.05, 0.11, 0.2, 0.35, 0.7)
ANCH = (0.07, 0.15, 0.3, 0.5, 0.8)

_SC_WORKERS = 16
_GB = 1352


def _build_consts(bn):
    sqc = np.float32((1.0 / (bn * (GA - 1) * 4)) ** 0.5)
    sqf = np.float32((1.0 / (bn * (GA - 1))) ** 0.5)
    gx = ((np.arange(G) // GH).astype(np.float32) + 0.5) / GW
    gy = ((np.arange(G) % GH).astype(np.float32) + 0.5) / GH
    t4 = np.zeros((NA, NC, G, 1), np.float32)
    a4 = np.zeros((NA, NC, 1, 1), np.float32)
    b4 = np.zeros((NA, NC, 1, 1), np.float32)
    for a in range(NA):
        t4[a, 0, :, 0] = sqc * gx
        t4[a, 1, :, 0] = sqc * gy
        t4[a, 2, :, 0] = sqc * ANCW[a]
        t4[a, 3, :, 0] = sqc * ANCH[a]
        a4[a, 2, 0, 0] = sqc * ANCW[a]
        a4[a, 3, 0, 0] = sqc * ANCH[a]
        b4[a, 0, 0, 0] = sqc
        b4[a, 1, 0, 0] = sqc
        b4[a, 4, 0, 0] = sqf
    return t4, a4, b4


def _dense_body(p_ref, t_ref, a_ref, b_ref, fi_ref, outs_ref, outo_ref):
    ci = pl.program_id(0)
    ai = pl.program_id(1)
    gi = pl.program_id(2)
    first_ag = jnp.logical_and(ai == 0, gi == 0)

    @pl.when(jnp.logical_and(ci == 0, first_ag))
    def _():
        outs_ref[...] = jnp.zeros_like(outs_ref)

    @pl.when(first_ag)
    def _():
        outo_ref[...] = jnp.zeros_like(outo_ref)

    p = p_ref[0, 0]
    av = a_ref[0, 0, 0, 0]
    bv = b_ref[0, 0, 0, 0]
    t = t_ref[0, 0]
    e = jnp.exp(p)
    r = 1.0 / (1.0 + e)
    d = e * (av + bv * r) - t
    part = jnp.sum(d * d, axis=0, keepdims=True)
    outs_ref[...] += jnp.sum(part, axis=1, keepdims=True)

    fi = fi_ref[...]
    cell = fi // NA
    anc = fi - cell * NA
    gidx = jax.lax.broadcasted_iota(jnp.int32, p.shape, 0) + gi * _GB
    m = jnp.logical_and(gidx == cell, anc == ai)
    picked = jnp.sum(jnp.where(m, p, 0.0), axis=0, keepdims=True)
    outo_ref[...] += jnp.expand_dims(picked, 0)


def _dense_sum(predt, fi2):
    na, nc, g, bn = predt.shape
    t4, a4, b4 = _build_consts(bn)
    return pl.pallas_call(
        _dense_body,
        grid=(NC, NA, G // _GB),
        in_specs=[
            pl.BlockSpec((1, 1, _GB, bn), lambda c, a, g: (a, c, g, 0)),
            pl.BlockSpec((1, 1, _GB, 1), lambda c, a, g: (a, c, g, 0)),
            pl.BlockSpec((1, 1, 1, 1), lambda c, a, g: (a, c, 0, 0)),
            pl.BlockSpec((1, 1, 1, 1), lambda c, a, g: (a, c, 0, 0)),
            pl.BlockSpec((1, bn), lambda c, a, g: (0, 0)),
        ],
        out_specs=[pl.BlockSpec((1, 1), lambda c, a, g: (0, 0)),
                   pl.BlockSpec((1, 1, bn), lambda c, a, g: (c, 0, 0))],
        out_shape=[jax.ShapeDtypeStruct((1, 1), jnp.float32),
                   jax.ShapeDtypeStruct((NC, 1, bn), jnp.float32)],
    )(predt, t4, a4, b4, fi2)


def _sc_match(label1d, bn):
    spw = bn // _SC_WORKERS
    info = plsc.get_sparse_core_info()
    ncores = info.num_cores
    mesh = plsc.VectorSubcoreMesh(core_axis_name="c", subcore_axis_name="s")

    @functools.partial(
        pl.kernel, mesh=mesh,
        out_type=jax.ShapeDtypeStruct((bn,), jnp.int32),
        scratch_types=[pltpu.VMEM((4 * spw,), jnp.float32),
                       pltpu.VMEM((spw,), jnp.int32)],
    )
    def sc_kernel(lab_hbm, fi_hbm, lab_v, fi_v):
        wid = lax.axis_index("s") * ncores + lax.axis_index("c")

        @pl.when(wid < _SC_WORKERS)
        def _():
            base = wid * spw
            for c in range(4):
                pltpu.sync_copy(lab_hbm.at[pl.ds(c * bn + base, spw)],
                                lab_v.at[pl.ds(c * spw, spw)])
            lx = lab_v[pl.ds(0 * spw, spw)]
            ly = lab_v[pl.ds(1 * spw, spw)]
            lw = lab_v[pl.ds(2 * spw, spw)]
            lh = lab_v[pl.ds(3 * spw, spw)]
            ix = (lx * GW).astype(jnp.int32)
            iy = (ly * GH).astype(jnp.int32)
            dw0 = lw - ANCW[0]
            dh0 = lh - ANCH[0]
            bd = dw0 * dw0 + dh0 * dh0
            ba = jnp.zeros((spw,), jnp.int32)
            for k in range(1, NA):
                dwk = lw - ANCW[k]
                dhk = lh - ANCH[k]
                dk = dwk * dwk + dhk * dhk
                upd = dk > bd
                ba = jnp.where(upd, k, ba)
                bd = jnp.where(upd, dk, bd)
            fi_v[...] = (ix * GW + iy) * NA + ba
            pltpu.sync_copy(fi_v, fi_hbm.at[pl.ds(base, spw)])

    return sc_kernel(label1d)


def _epi_body(sw_ref, obj_ref, fi_ref, lab_ref, out_ref):
    bn = fi_ref.shape[1]
    fi = fi_ref[...]
    idx = fi // NA
    a = fi - idx * NA
    ixg = idx // GH
    iyg = idx - ixg * GH
    gxt = (ixg.astype(jnp.float32) + 0.5) / GW
    gyt = (iyg.astype(jnp.float32) + 0.5) / GH
    aw = jnp.full(a.shape, ANCW[0], jnp.float32)
    ah = jnp.full(a.shape, ANCH[0], jnp.float32)
    for k in range(1, NA):
        aw = jnp.where(a == k, ANCW[k], aw)
        ah = jnp.where(a == k, ANCH[k], ah)
    px = jax.nn.sigmoid(obj_ref[0:1, :])
    py = jax.nn.sigmoid(obj_ref[1:2, :])
    pw = jnp.exp(obj_ref[2:3, :]) * aw
    ph = jnp.exp(obj_ref[3:4, :]) * ah
    pc = jax.nn.sigmoid(obj_ref[4:5, :])
    o_coor = (px - gxt) ** 2 + (py - gyt) ** 2 + (pw - aw) ** 2 + (ph - ah) ** 2
    o_conf = pc * pc
    wcoor = 1.0 / (bn * (GA - 1) * 4)
    wconf = 1.0 / (bn * (GA - 1))
    ssum = lambda x: jnp.sum(x, axis=1, keepdims=True)
    sub = ssum(o_coor) * wcoor + ssum(o_conf) * wconf
    lx = lab_ref[0:1, :]
    ly = lab_ref[1:2, :]
    lw = lab_ref[2:3, :]
    lh = lab_ref[3:4, :]
    coor_obj = ssum((px - lx) ** 2 + (py - ly) ** 2
                    + (pw - lw) ** 2 + (ph - lh) ** 2) / (bn * 4)
    lx0 = jnp.maximum(lx - lw * 0.5, 0.0)
    ly0 = jnp.maximum(ly - lh * 0.5, 0.0)
    lx1 = jnp.minimum(lx + lw * 0.5, 1.0)
    ly1 = jnp.minimum(ly + lh * 0.5, 1.0)
    px0 = jnp.maximum(px - pw * 0.5, 0.0)
    py0 = jnp.maximum(py - ph * 0.5, 0.0)
    px1 = jnp.minimum(px + pw * 0.5, 1.0)
    py1 = jnp.minimum(py + ph * 0.5, 1.0)
    ix0 = jnp.maximum(lx0, px0)
    iy0 = jnp.maximum(ly0, py0)
    ix1 = jnp.minimum(lx1, px1)
    iy1 = jnp.minimum(ly1, py1)
    la = lx1 * ly1
    pa = px1 * py1
    ia = jnp.maximum(ix1 - ix0, 0.0) * jnp.maximum(iy1 - iy0, 0.0)
    iou = ia / (la + pa - ia)
    conf_obj = ssum((pc - iou) ** 2) / bn
    out_ref[...] = sw_ref[...] - sub + coor_obj + conf_obj


def _epilogue(s_w, obj, fi2, lab_t):
    bn = fi2.shape[1]
    return pl.pallas_call(
        _epi_body,
        in_specs=[pl.BlockSpec((1, 1), lambda: (0, 0)),
                  pl.BlockSpec((NC, bn), lambda: (0, 0)),
                  pl.BlockSpec((1, bn), lambda: (0, 0)),
                  pl.BlockSpec((4, bn), lambda: (0, 0))],
        out_specs=pl.BlockSpec((1, 1), lambda: (0, 0)),
        out_shape=jax.ShapeDtypeStruct((1, 1), jnp.float32),
    )(s_w, obj, fi2, lab_t)


def kernel(pred, label):
    bn = pred.shape[0]
    predt = pred.transpose(2, 3, 1, 0)
    label_t = label.T
    fi = _sc_match(label_t.reshape(4 * bn), bn)
    fi2 = fi.reshape(1, bn)
    s_w, obj = _dense_sum(predt, fi2)
    out = _epilogue(s_w, obj.reshape(NC, bn), fi2, label_t)
    return out[0, 0]

# --- scband reference (transcript-rebuilt; emitter-appended) ---
"""Pipeline reference for scband-yololoss-28338194219069 (READ-ONLY COPY).

The authoritative reference and input builder live on the scoring server;
editing this copy changes nothing except your own understanding.
"""

import jax, jax.numpy as jnp
import numpy as np

GRID_SIZE = (52, 52)
B = 256
A = 5
G = GRID_SIZE[0] * GRID_SIZE[1]
ANCHORS = jnp.array([[0.05, 0.07], [0.11, 0.15], [0.2, 0.3], [0.35, 0.5], [0.7, 0.8]], dtype=jnp.float32)
L_COOR_OBJ = 1.0
L_COOR_NOOBJ = 1.0
L_CONF_OBJ = 1.0
L_CONF_NOOBJ = 1.0


def YOLOout(pred, anchors):
    # standard YOLO decode: sigmoid xy/conf, exp(wh)*anchor priors
    xy = jax.nn.sigmoid(pred[..., :2])
    wh = jnp.exp(pred[..., 2:4]) * anchors[None, None, :, :]
    conf = jax.nn.sigmoid(pred[..., 4:5])
    return jnp.concatenate([xy, wh, conf], axis=-1)


def IoU_calc(pred_, label):
    nb = pred_.shape[0]
    bb_idx = jnp.argmax(pred_[..., 4].reshape(nb, -1), axis=1)
    pred = pred_.reshape(nb, -1, 5)[jnp.arange(nb), bb_idx]
    label_bb = jnp.stack([
        jnp.maximum(label[:, 0] - label[:, 2] / 2, 0.0),
        jnp.maximum(label[:, 1] - label[:, 3] / 2, 0.0),
        jnp.minimum(label[:, 0] + label[:, 2] / 2, 1.0),
        jnp.minimum(label[:, 1] + label[:, 3] / 2, 1.0)], axis=1)
    pred_bb = jnp.stack([
        jnp.maximum(pred[:, 0] - pred[:, 2] / 2, 0.0),
        jnp.maximum(pred[:, 1] - pred[:, 3] / 2, 0.0),
        jnp.minimum(pred[:, 0] + pred[:, 2] / 2, 1.0),
        jnp.minimum(pred[:, 1] + pred[:, 3] / 2, 1.0)], axis=1)
    inter_bb = jnp.stack([
        jnp.maximum(label_bb[:, 0], pred_bb[:, 0]),
        jnp.maximum(label_bb[:, 1], pred_bb[:, 1]),
        jnp.minimum(label_bb[:, 2], pred_bb[:, 2]),
        jnp.minimum(label_bb[:, 3], pred_bb[:, 3])], axis=1)
    label_area = label_bb[:, 2] * label_bb[:, 3]
    pred_area = pred_bb[:, 2] * pred_bb[:, 3]
    inter_area = jnp.maximum(inter_bb[:, 2] - inter_bb[:, 0], 0.0) * jnp.maximum(inter_bb[:, 3] - inter_bb[:, 1], 0.0)
    return inter_area / (label_area + pred_area - inter_area)


def _forward(pred, label):
    GH, GW = GRID_SIZE
    nb = pred.shape[0]
    na = ANCHORS.shape[0]
    idx_x = jnp.floor(label[:, 0] * GW)
    idx_y = jnp.floor(label[:, 1] * GH)
    idx = (idx_x * GW + idx_y).astype(jnp.int32)
    predd = YOLOout(pred, ANCHORS)
    anchor_mask = jnp.argmax(jnp.sum((label[:, 2:4][:, None, :] - ANCHORS[None, :, :]) ** 2.0, axis=2), axis=1).astype(jnp.int32)
    gx = ((jnp.repeat(jnp.arange(GW), GH * na) + 0.5) / GW).astype(jnp.float32).reshape(G, na)
    gy = ((jnp.repeat(jnp.tile(jnp.arange(GH), GW), na) + 0.5) / GH).astype(jnp.float32).reshape(G, na)
    aw = jnp.broadcast_to(ANCHORS[:, 0][None, :], (G, na))
    ah = jnp.broadcast_to(ANCHORS[:, 1][None, :], (G, na))
    anchors_grid = jnp.stack([gx, gy, aw, ah], axis=-1)
    GA = G * na
    flat_idx = idx * na + anchor_mask
    pred_flat = predd.reshape(nb, GA, 5)
    pred_obj = pred_flat[jnp.arange(nb), flat_idx]
    # emulate boolean-mask removal of the single obj cell per sample, preserving order
    base = jnp.arange(GA - 1, dtype=jnp.int32)
    sel = base[None, :] + (base[None, :] >= flat_idx[:, None]).astype(jnp.int32)
    pred_noobj = jnp.take_along_axis(pred_flat, sel[..., None], axis=1)
    ag_flat = jnp.broadcast_to(anchors_grid.reshape(1, GA, 4), (nb, GA, 4))
    ag_noobj = jnp.take_along_axis(ag_flat, sel[..., None], axis=1)
    coor_l_obj = jnp.mean((pred_obj[:, :4] - label) ** 2)
    coor_l_noobj = jnp.mean((pred_noobj[..., :4] - ag_noobj) ** 2)
    iou = IoU_calc(pred_obj[:, None, :], label)
    conf_l_obj = jnp.mean((pred_obj[:, 4] - iou) ** 2)
    conf_l_noobj = jnp.mean(pred_noobj[..., 4] ** 2)
    return coor_l_obj * L_COOR_OBJ + coor_l_noobj * L_COOR_NOOBJ + conf_l_obj * L_CONF_OBJ + conf_l_noobj * L_CONF_NOOBJ


def setup_inputs(seed: int = 0):
    key = jax.random.key(seed)
    k1, k2 = jax.random.split(key)
    pred = jax.random.normal(k1, (B, G, A, 5), dtype=jnp.float32)
    label = jax.random.uniform(k2, (B, 4), dtype=jnp.float32)
    return {"pred": pred, "label": label}


def reference(pred, label):
    return _forward(pred, label)

if __name__ == "__main__":
    import jax
    _d = setup_inputs()
    print(jax.jit(kernel)(*tuple(_d.values())))

</pallas_src>

<mosaic_0001>
#map = affine_map<(d0, d1) -> (0)>
module attributes {stable_mosaic.version = 14 : i64} {
  func.func @sc_kernel(%arg0: i32, %arg1: i32, %arg2: memref<1024xf32, #tpu.memory_space<hbm>>, %arg3: memref<256xi32, #tpu.memory_space<hbm>>, %arg4: memref<64xf32, #tpu.memory_space<vmem>>, %arg5: memref<16xi32, #tpu.memory_space<vmem>>) attributes {dimension_semantics = [#tpu.dimension_semantics<core_parallel>, #tpu.dimension_semantics<subcore_parallel>], iteration_bounds = array<i64: 2, 16>, scalar_prefetch = 0 : i64, scratch_operands = 2 : i64, tpu.core_type = #tpu.core_type<sc_vector_subcore>, window_params = [{transform_indices = #map}, {transform_indices = #map}]} {
    %mul3A = arith.constant 2 : i32
    %mul3A_0 = arith.muli %arg1, %mul3A : i32
    %add3A = arith.addi %mul3A_0, %arg0 : i32
    %lt3A = arith.constant 16 : i32
    %lt3A_1 = arith.cmpi slt, %add3A, %lt3A : i32
    %convert_element_type3A = arith.extui %lt3A_1 : i1 to i32
    %cond3A = arith.constant 0 : i32
    %cond3A_2 = arith.cmpi ne, %convert_element_type3A, %cond3A : i32
    scf.if %cond3A_2 {
      %mul3A_3 = arith.constant 16 : i32
      %mul3A_4 = arith.muli %add3A, %mul3A_3 : i32
      %add3A_5 = arith.constant 0 : i32
      %add3A_6 = arith.addi %add3A_5, %mul3A_4 : i32
      "tpu.region"() ({
        %run_scoped3A = tpu.sem_alloc : memref<!tpu.dma_semaphore, #tpu.memory_space<semaphore_mem>>
        %dma_start3A = arith.constant 0 : i32
        %dma_start3A_105 = tpu.memref_slice %arg4[%dma_start3A] : memref<64xf32, #tpu.memory_space<vmem>> -> memref<16xf32, #tpu.memory_space<vmem>>
        %dma_start3A_106 = tpu.memref_slice %arg2[%add3A_6] : memref<1024xf32, #tpu.memory_space<hbm>> -> memref<16xf32, #tpu.memory_space<hbm>>
        %dma_start3A_107 = arith.constant 0 : i32
        %dma_start3A_108 = tpu.memref_slice %arg4[%dma_start3A_107] : memref<64xf32, #tpu.memory_space<vmem>> -> memref<16xf32, #tpu.memory_space<vmem>>
        %dma_start3A_109 = tpu.memref_slice %arg2[%add3A_6] : memref<1024xf32, #tpu.memory_space<hbm>> -> memref<16xf32, #tpu.memory_space<hbm>>
        tpu.enqueue_dma source(%dma_start3A_109 : memref<16xf32, #tpu.memory_space<hbm>>) target(%dma_start3A_108 : memref<16xf32, #tpu.memory_space<vmem>>) target_semaphore(%run_scoped3A : memref<!tpu.dma_semaphore, #tpu.memory_space<semaphore_mem>>)
        %dma_wait3A = arith.constant 0 : i32
        %dma_wait3A_110 = tpu.memref_slice %arg4[%dma_wait3A] : memref<64xf32, #tpu.memory_space<vmem>> -> memref<16xf32, #tpu.memory_space<vmem>>
        %dma_wait3A_111 = tpu.memref_slice %arg2[%add3A_6] : memref<1024xf32, #tpu.memory_space<hbm>> -> memref<16xf32, #tpu.memory_space<hbm>>
        %dma_wait3A_112 = arith.constant 0 : i32
        %dma_wait3A_113 = tpu.memref_slice %arg4[%dma_wait3A_112] : memref<64xf32, #tpu.memory_space<vmem>> -> memref<16xf32, #tpu.memory_space<vmem>>
        %dma_wait3A_114 = tpu.memref_slice %arg2[%add3A_6] : memref<1024xf32, #tpu.memory_space<hbm>> -> memref<16xf32, #tpu.memory_space<hbm>>
        tpu.wait_dma2 semaphore(%run_scoped3A : memref<!tpu.dma_semaphore, #tpu.memory_space<semaphore_mem>>) src(%dma_wait3A_114 : memref<16xf32, #tpu.memory_space<hbm>>) dst(%dma_wait3A_113 : memref<16xf32, #tpu.memory_space<vmem>>)
        tpu.yield
      }) : () -> ()
      %add3A_7 = arith.constant 256 : i32
      %add3A_8 = arith.addi %add3A_7, %mul3A_4 : i32
      "tpu.region"() ({
        %run_scoped3A = tpu.sem_alloc : memref<!tpu.dma_semaphore, #tpu.memory_space<semaphore_mem>>
        %dma_start3A = arith.constant 16 : i32
        %dma_start3A_105 = tpu.memref_slice %arg4[%dma_start3A] : memref<64xf32, #tpu.memory_space<vmem>> -> memref<16xf32, #tpu.memory_space<vmem>>
        %dma_start3A_106 = tpu.memref_slice %arg2[%add3A_8] : memref<1024xf32, #tpu.memory_space<hbm>> -> memref<16xf32, #tpu.memory_space<hbm>>
        %dma_start3A_107 = arith.constant 16 : i32
        %dma_start3A_108 = tpu.memref_slice %arg4[%dma_start3A_107] : memref<64xf32, #tpu.memory_space<vmem>> -> memref<16xf32, #tpu.memory_space<vmem>>
        %dma_start3A_109 = tpu.memref_slice %arg2[%add3A_8] : memref<1024xf32, #tpu.memory_space<hbm>> -> memref<16xf32, #tpu.memory_space<hbm>>
        tpu.enqueue_dma source(%dma_start3A_109 : memref<16xf32, #tpu.memory_space<hbm>>) target(%dma_start3A_108 : memref<16xf32, #tpu.memory_space<vmem>>) target_semaphore(%run_scoped3A : memref<!tpu.dma_semaphore, #tpu.memory_space<semaphore_mem>>)
        %dma_wait3A = arith.constant 16 : i32
        %dma_wait3A_110 = tpu.memref_slice %arg4[%dma_wait3A] : memref<64xf32, #tpu.memory_space<vmem>> -> memref<16xf32, #tpu.memory_space<vmem>>
        %dma_wait3A_111 = tpu.memref_slice %arg2[%add3A_8] : memref<1024xf32, #tpu.memory_space<hbm>> -> memref<16xf32, #tpu.memory_space<hbm>>
        %dma_wait3A_112 = arith.constant 16 : i32
        %dma_wait3A_113 = tpu.memref_slice %arg4[%dma_wait3A_112] : memref<64xf32, #tpu.memory_space<vmem>> -> memref<16xf32, #tpu.memory_space<vmem>>
        %dma_wait3A_114 = tpu.memref_slice %arg2[%add3A_8] : memref<1024xf32, #tpu.memory_space<hbm>> -> memref<16xf32, #tpu.memory_space<hbm>>
        tpu.wait_dma2 semaphore(%run_scoped3A : memref<!tpu.dma_semaphore, #tpu.memory_space<semaphore_mem>>) src(%dma_wait3A_114 : memref<16xf32, #tpu.memory_space<hbm>>) dst(%dma_wait3A_113 : memref<16xf32, #tpu.memory_space<vmem>>)
        tpu.yield
      }) : () -> ()
      %add3A_9 = arith.constant 512 : i32
      %add3A_10 = arith.addi %add3A_9, %mul3A_4 : i32
      "tpu.region"() ({
        %run_scoped3A = tpu.sem_alloc : memref<!tpu.dma_semaphore, #tpu.memory_space<semaphore_mem>>
        %dma_start3A = arith.constant 32 : i32
        %dma_start3A_105 = tpu.memref_slice %arg4[%dma_start3A] : memref<64xf32, #tpu.memory_space<vmem>> -> memref<16xf32, #tpu.memory_space<vmem>>
        %dma_start3A_106 = tpu.memref_slice %arg2[%add3A_10] : memref<1024xf32, #tpu.memory_space<hbm>> -> memref<16xf32, #tpu.memory_space<hbm>>
        %dma_start3A_107 = arith.constant 32 : i32
        %dma_start3A_108 = tpu.memref_slice %arg4[%dma_start3A_107] : memref<64xf32, #tpu.memory_space<vmem>> -> memref<16xf32, #tpu.memory_space<vmem>>
        %dma_start3A_109 = tpu.memref_slice %arg2[%add3A_10] : memref<1024xf32, #tpu.memory_space<hbm>> -> memref<16xf32, #tpu.memory_space<hbm>>
        tpu.enqueue_dma source(%dma_start3A_109 : memref<16xf32, #tpu.memory_space<hbm>>) target(%dma_start3A_108 : memref<16xf32, #tpu.memory_space<vmem>>) target_semaphore(%run_scoped3A : memref<!tpu.dma_semaphore, #tpu.memory_space<semaphore_mem>>)
        %dma_wait3A = arith.constant 32 : i32
        %dma_wait3A_110 = tpu.memref_slice %arg4[%dma_wait3A] : memref<64xf32, #tpu.memory_space<vmem>> -> memref<16xf32, #tpu.memory_space<vmem>>
        %dma_wait3A_111 = tpu.memref_slice %arg2[%add3A_10] : memref<1024xf32, #tpu.memory_space<hbm>> -> memref<16xf32, #tpu.memory_space<hbm>>
        %dma_wait3A_112 = arith.constant 32 : i32
        %dma_wait3A_113 = tpu.memref_slice %arg4[%dma_wait3A_112] : memref<64xf32, #tpu.memory_space<vmem>> -> memref<16xf32, #tpu.memory_space<vmem>>
        %dma_wait3A_114 = tpu.memref_slice %arg2[%add3A_10] : memref<1024xf32, #tpu.memory_space<hbm>> -> memref<16xf32, #tpu.memory_space<hbm>>
        tpu.wait_dma2 semaphore(%run_scoped3A : memref<!tpu.dma_semaphore, #tpu.memory_space<semaphore_mem>>) src(%dma_wait3A_114 : memref<16xf32, #tpu.memory_space<hbm>>) dst(%dma_wait3A_113 : memref<16xf32, #tpu.memory_space<vmem>>)
        tpu.yield
      }) : () -> ()
      %add3A_11 = arith.constant 768 : i32
      %add3A_12 = arith.addi %add3A_11, %mul3A_4 : i32
      "tpu.region"() ({
        %run_scoped3A = tpu.sem_alloc : memref<!tpu.dma_semaphore, #tpu.memory_space<semaphore_mem>>
        %dma_start3A = arith.constant 48 : i32
        %dma_start3A_105 = tpu.memref_slice %arg4[%dma_start3A] : memref<64xf32, #tpu.memory_space<vmem>> -> memref<16xf32, #tpu.memory_space<vmem>>
        %dma_start3A_106 = tpu.memref_slice %arg2[%add3A_12] : memref<1024xf32, #tpu.memory_space<hbm>> -> memref<16xf32, #tpu.memory_space<hbm>>
        %dma_start3A_107 = arith.constant 48 : i32
        %dma_start3A_108 = tpu.memref_slice %arg4[%dma_start3A_107] : memref<64xf32, #tpu.memory_space<vmem>> -> memref<16xf32, #tpu.memory_space<vmem>>
        %dma_start3A_109 = tpu.memref_slice %arg2[%add3A_12] : memref<1024xf32, #tpu.memory_space<hbm>> -> memref<16xf32, #tpu.memory_space<hbm>>
        tpu.enqueue_dma source(%dma_start3A_109 : memref<16xf32, #tpu.memory_space<hbm>>) target(%dma_start3A_108 : memref<16xf32, #tpu.memory_space<vmem>>) target_semaphore(%run_scoped3A : memref<!tpu.dma_semaphore, #tpu.memory_space<semaphore_mem>>)
        %dma_wait3A = arith.constant 48 : i32
        %dma_wait3A_110 = tpu.memref_slice %arg4[%dma_wait3A] : memref<64xf32, #tpu.memory_space<vmem>> -> memref<16xf32, #tpu.memory_space<vmem>>
        %dma_wait3A_111 = tpu.memref_slice %arg2[%add3A_12] : memref<1024xf32, #tpu.memory_space<hbm>> -> memref<16xf32, #tpu.memory_space<hbm>>
        %dma_wait3A_112 = arith.constant 48 : i32
        %dma_wait3A_113 = tpu.memref_slice %arg4[%dma_wait3A_112] : memref<64xf32, #tpu.memory_space<vmem>> -> memref<16xf32, #tpu.memory_space<vmem>>
        %dma_wait3A_114 = tpu.memref_slice %arg2[%add3A_12] : memref<1024xf32, #tpu.memory_space<hbm>> -> memref<16xf32, #tpu.memory_space<hbm>>
        tpu.wait_dma2 semaphore(%run_scoped3A : memref<!tpu.dma_semaphore, #tpu.memory_space<semaphore_mem>>) src(%dma_wait3A_114 : memref<16xf32, #tpu.memory_space<hbm>>) dst(%dma_wait3A_113 : memref<16xf32, #tpu.memory_space<vmem>>)
        tpu.yield
      }) : () -> ()
      %get3A = arith.constant 0 : index
      %get3A_13 = tpu.vector_load %arg4[%get3A] {strides = array<i32>} : memref<64xf32, #tpu.memory_space<vmem>>, vector<16xf32>,
      %get3A_14 = vector.shape_cast %get3A_13 : vector<16xf32> to vector<16xf32>
      %get3A_15 = arith.constant 16 : index
      %get3A_16 = tpu.vector_load %arg4[%get3A_15] {strides = array<i32>} : memref<64xf32, #tpu.memory_space<vmem>>, vector<16xf32>,
      %get3A_17 = vector.shape_cast %get3A_16 : vector<16xf32> to vector<16xf32>
      %get3A_18 = arith.constant 32 : index
      %get3A_19 = tpu.vector_load %arg4[%get3A_18] {strides = array<i32>} : memref<64xf32, #tpu.memory_space<vmem>>, vector<16xf32>,
      %get3A_20 = vector.shape_cast %get3A_19 : vector<16xf32> to vector<16xf32>
      %get3A_21 = arith.constant 48 : index
      %get3A_22 = tpu.vector_load %arg4[%get3A_21] {strides = array<i32>} : memref<64xf32, #tpu.memory_space<vmem>>, vector<16xf32>,
      %get3A_23 = vector.shape_cast %get3A_22 : vector<16xf32> to vector<16xf32>
      %mul3A_24 = arith.constant 5.200000e+01 : f32
      %mul3A_25 = vector.broadcast %mul3A_24 : f32 to vector<16xf32>
      %mul3A_26 = arith.mulf %get3A_14, %mul3A_25 : vector<16xf32>
      %convert_element_type3A_27 = arith.fptosi %mul3A_26 : vector<16xf32> to vector<16xi32>
      %mul3A_28 = arith.constant 5.200000e+01 : f32
      %mul3A_29 = vector.broadcast %mul3A_28 : f32 to vector<16xf32>
      %mul3A_30 = arith.mulf %get3A_17, %mul3A_29 : vector<16xf32>
      %convert_element_type3A_31 = arith.fptosi %mul3A_30 : vector<16xf32> to vector<16xi32>
      %sub3A = arith.constant 5.000000e-02 : f32
      %sub3A_32 = vector.broadcast %sub3A : f32 to vector<16xf32>
      %sub3A_33 = arith.subf %get3A_20, %sub3A_32 : vector<16xf32>
      %sub3A_34 = arith.constant 7.000000e-02 : f32
      %sub3A_35 = vector.broadcast %sub3A_34 : f32 to vector<16xf32>
      %sub3A_36 = arith.subf %get3A_23, %sub3A_35 : vector<16xf32>
      %mul3A_37 = arith.mulf %sub3A_33, %sub3A_33 : vector<16xf32>
      %mul3A_38 = arith.mulf %sub3A_36, %sub3A_36 : vector<16xf32>
      %add3A_39 = arith.addf %mul3A_37, %mul3A_38 : vector<16xf32>
      %broadcast_in_dim3A = arith.constant 0 : i32
      %broadcast_in_dim3A_40 = vector.broadcast %broadcast_in_dim3A : i32 to vector<16xi32>
      %sub3A_41 = arith.constant 1.100000e-01 : f32
      %sub3A_42 = vector.broadcast %sub3A_41 : f32 to vector<16xf32>
      %sub3A_43 = arith.subf %get3A_20, %sub3A_42 : vector<16xf32>
      %sub3A_44 = arith.constant 1.500000e-01 : f32
      %sub3A_45 = vector.broadcast %sub3A_44 : f32 to vector<16xf32>
      %sub3A_46 = arith.subf %get3A_23, %sub3A_45 : vector<16xf32>
      %mul3A_47 = arith.mulf %sub3A_43, %sub3A_43 : vector<16xf32>
      %mul3A_48 = arith.mulf %sub3A_46, %sub3A_46 : vector<16xf32>
      %add3A_49 = arith.addf %mul3A_47, %mul3A_48 : vector<16xf32>
      %gt3A = arith.cmpf ogt, %add3A_49, %add3A_39 : vector<16xf32>
      %jit3A = arith.constant 1 : i32
      %broadcast_in_dim3A_50 = vector.broadcast %jit3A : i32 to vector<16xi32>
      %select_n3A = arith.select %gt3A, %broadcast_in_dim3A_50, %broadcast_in_dim3A_40 : vector<16xi1>, vector<16xi32>
      %select_n3A_51 = arith.select %gt3A, %add3A_49, %add3A_39 : vector<16xi1>, vector<16xf32>
      %sub3A_52 = arith.constant 2.000000e-01 : f32
      %sub3A_53 = vector.broadcast %sub3A_52 : f32 to vector<16xf32>
      %sub3A_54 = arith.subf %get3A_20, %sub3A_53 : vector<16xf32>
      %sub3A_55 = arith.constant 3.000000e-01 : f32
      %sub3A_56 = vector.broadcast %sub3A_55 : f32 to vector<16xf32>
      %sub3A_57 = arith.subf %get3A_23, %sub3A_56 : vector<16xf32>
      %mul3A_58 = arith.mulf %sub3A_54, %sub3A_54 : vector<16xf32>
      %mul3A_59 = arith.mulf %sub3A_57, %sub3A_57 : vector<16xf32>
      %add3A_60 = arith.addf %mul3A_58, %mul3A_59 : vector<16xf32>
      %gt3A_61 = arith.cmpf ogt, %add3A_60, %select_n3A_51 : vector<16xf32>
      %jit3A_62 = arith.constant 2 : i32
      %broadcast_in_dim3A_63 = vector.broadcast %jit3A_62 : i32 to vector<16xi32>
      %select_n3A_64 = arith.select %gt3A_61, %broadcast_in_dim3A_63, %select_n3A : vector<16xi1>, vector<16xi32>
      %select_n3A_65 = arith.select %gt3A_61, %add3A_60, %select_n3A_51 : vector<16xi1>, vector<16xf32>
      %sub3A_66 = arith.constant 3.500000e-01 : f32
      %sub3A_67 = vector.broadcast %sub3A_66 : f32 to vector<16xf32>
      %sub3A_68 = arith.subf %get3A_20, %sub3A_67 : vector<16xf32>
      %sub3A_69 = arith.constant 5.000000e-01 : f32
      %sub3A_70 = vector.broadcast %sub3A_69 : f32 to vector<16xf32>
      %sub3A_71 = arith.subf %get3A_23, %sub3A_70 : vector<16xf32>
      %mul3A_72 = arith.mulf %sub3A_68, %sub3A_68 : vector<16xf32>
      %mul3A_73 = arith.mulf %sub3A_71, %sub3A_71 : vector<16xf32>
      %add3A_74 = arith.addf %mul3A_72, %mul3A_73 : vector<16xf32>
      %gt3A_75 = arith.cmpf ogt, %add3A_74, %select_n3A_65 : vector<16xf32>
      %jit3A_76 = arith.constant 3 : i32
      %broadcast_in_dim3A_77 = vector.broadcast %jit3A_76 : i32 to vector<16xi32>
      %select_n3A_78 = arith.select %gt3A_75, %broadcast_in_dim3A_77, %select_n3A_64 : vector<16xi1>, vector<16xi32>
      %select_n3A_79 = arith.select %gt3A_75, %add3A_74, %select_n3A_65 : vector<16xi1>, vector<16xf32>
      %sub3A_80 = arith.constant 0.699999988 : f32
      %sub3A_81 = vector.broadcast %sub3A_80 : f32 to vector<16xf32>
      %sub3A_82 = arith.subf %get3A_20, %sub3A_81 : vector<16xf32>
      %sub3A_83 = arith.constant 8.000000e-01 : f32
      %sub3A_84 = vector.broadcast %sub3A_83 : f32 to vector<16xf32>
      %sub3A_85 = arith.subf %get3A_23, %sub3A_84 : vector<16xf32>
      %mul3A_86 = arith.mulf %sub3A_82, %sub3A_82 : vector<16xf32>
      %mul3A_87 = arith.mulf %sub3A_85, %sub3A_85 : vector<16xf32>
      %add3A_88 = arith.addf %mul3A_86, %mul3A_87 : vector<16xf32>
      %gt3A_89 = arith.cmpf ogt, %add3A_88, %select_n3A_79 : vector<16xf32>
      %jit3A_90 = arith.constant 4 : i32
      %broadcast_in_dim3A_91 = vector.broadcast %jit3A_90 : i32 to vector<16xi32>
      %select_n3A_92 = arith.select %gt3A_89, %broadcast_in_dim3A_91, %select_n3A_78 : vector<16xi1>, vector<16xi32>
      %select_n3A_93 = arith.select %gt3A_89, %add3A_88, %select_n3A_79 : vector<16xi1>, vector<16xf32>
      %mul3A_94 = arith.constant 52 : i32
      %mul3A_95 = vector.broadcast %mul3A_94 : i32 to vector<16xi32>
      %mul3A_96 = arith.muli %convert_element_type3A_27, %mul3A_95 : vector<16xi32>
      %add3A_97 = arith.addi %mul3A_96, %convert_element_type3A_31 : vector<16xi32>
      %mul3A_98 = arith.constant 5 : i32
      %mul3A_99 = vector.broadcast %mul3A_98 : i32 to vector<16xi32>
      %mul3A_100 = arith.muli %add3A_97, %mul3A_99 : vector<16xi32>
      %add3A_101 = arith.addi %mul3A_100, %select_n3A_92 : vector<16xi32>
      %swap3A = arith.constant 0 : index
      %swap3A_102 = tpu.vector_load %arg5[%swap3A] {strides = array<i32>} : memref<16xi32, #tpu.memory_space<vmem>>, vector<16xi32>,
      %swap3A_103 = vector.shape_cast %swap3A_102 : vector<16xi32> to vector<16xi32>
      %swap3A_104 = vector.shape_cast %add3A_101 : vector<16xi32> to vector<16xi32>
      tpu.vector_store %arg5[%swap3A], %swap3A_104 {strides = array<i32>} : memref<16xi32, #tpu.memory_space<vmem>>, vector<16xi32>,
      "tpu.region"() ({
        %run_scoped3A = tpu.sem_alloc : memref<!tpu.dma_semaphore, #tpu.memory_space<semaphore_mem>>
        %dma_start3A = tpu.memref_slice %arg3[%mul3A_4] : memref<256xi32, #tpu.memory_space<hbm>> -> memref<16xi32, #tpu.memory_space<hbm>>
        %dma_start3A_105 = tpu.memref_slice %arg3[%mul3A_4] : memref<256xi32, #tpu.memory_space<hbm>> -> memref<16xi32, #tpu.memory_space<hbm>>
        tpu.enqueue_dma source(%arg5 : memref<16xi32, #tpu.memory_space<vmem>>) target(%dma_start3A_105 : memref<16xi32, #tpu.memory_space<hbm>>) target_semaphore(%run_scoped3A : memref<!tpu.dma_semaphore, #tpu.memory_space<semaphore_mem>>)
        %dma_wait3A = tpu.memref_slice %arg3[%mul3A_4] : memref<256xi32, #tpu.memory_space<hbm>> -> memref<16xi32, #tpu.memory_space<hbm>>
        %dma_wait3A_106 = tpu.memref_slice %arg3[%mul3A_4] : memref<256xi32, #tpu.memory_space<hbm>> -> memref<16xi32, #tpu.memory_space<hbm>>
        tpu.wait_dma2 semaphore(%run_scoped3A : memref<!tpu.dma_semaphore, #tpu.memory_space<semaphore_mem>>) src(%arg5 : memref<16xi32, #tpu.memory_space<vmem>>) dst(%dma_wait3A_106 : memref<16xi32, #tpu.memory_space<hbm>>)
        tpu.yield
      }) : () -> ()
    } else {
    }
    return
  }
}

module attributes {stable_mosaic.version = 14 : i64} {
  func.func @_dense_body(%arg0: i32, %arg1: i32, %arg2: i32, %arg3: memref<1x1x1352x256xf32, #tpu.memory_space<vmem>>, %arg4: memref<1x1x1352x1xf32, #tpu.memory_space<vmem>>, %arg5: memref<1x1x1x1xf32, #tpu.memory_space<vmem>>, %arg6: memref<1x1x1x1xf32, #tpu.memory_space<vmem>>, %arg7: memref<1x256xi32, #tpu.memory_space<vmem>>, %arg8: memref<1x1xf32, #tpu.memory_space<vmem>>, %arg9: memref<1x1x256xf32, #tpu.memory_space<vmem>>) attributes {dimension_semantics = [#tpu.dimension_semantics<arbitrary>, #tpu.dimension_semantics<arbitrary>, #tpu.dimension_semantics<arbitrary>], iteration_bounds = array<i64: 5, 5, 2>, scalar_prefetch = 0 : i64, scratch_operands = 0 : i64, tpu.core_type = #tpu.core_type<tc>, window_params = [{transform_indices = @transform_0, window_bounds = array<i64: 1, 1, 1352, 256>}, {transform_indices = @transform_1, window_bounds = array<i64: 1, 1, 1352, 1>}, {transform_indices = @transform_2, window_bounds = array<i64: 1, 1, 1, 1>}, {transform_indices = @transform_3, window_bounds = array<i64: 1, 1, 1, 1>}, {pipeline_mode = #tpu.pipeline_mode<synchronous>, transform_indices = @transform_4, window_bounds = array<i64: 1, 256>}, {pipeline_mode = #tpu.pipeline_mode<synchronous>, transform_indices = @transform_5, window_bounds = array<i64: 1, 1>}, {transform_indices = @transform_6, window_bounds = array<i64: 1, 1, 256>}]} {
    %eq3A = arith.constant 0 : i32
    %eq3A_0 = arith.cmpi eq, %arg1, %eq3A : i32
    %eq3A_1 = arith.constant 0 : i32
    %eq3A_2 = arith.cmpi eq, %arg2, %eq3A_1 : i32
    %and3A = arith.andi %eq3A_0, %eq3A_2 : i1
    %eq3A_3 = arith.constant 0 : i32
    %eq3A_4 = arith.cmpi eq, %arg0, %eq3A_3 : i32
    %and3A_5 = arith.andi %eq3A_4, %and3A : i1
    %convert_element_type3A = arith.extui %and3A_5 : i1 to i32
    %cond3A = arith.constant 0 : i32
    %cond3A_6 = arith.cmpi ne, %convert_element_type3A, %cond3A : i32
    scf.if %cond3A_6 {
      %broadcast_in_dim3A_112 = arith.constant 0.000000e+00 : f32
      %broadcast_in_dim3A_113 = vector.broadcast %broadcast_in_dim3A_112 : f32 to vector<1x1xf32>
      %swap3A_114 = arith.constant 0 : index
      %swap3A_115 = arith.constant 0 : index
      %swap3A_116 = vector.load %arg8[%swap3A_114, %swap3A_115] : memref<1x1xf32, #tpu.memory_space<vmem>>, vector<1x1xf32>
      tpu.vector_store %arg8[%swap3A_114, %swap3A_115], %broadcast_in_dim3A_113 {strides = array<i32>} : memref<1x1xf32, #tpu.memory_space<vmem>>, vector<1x1xf32>,
    } else {
    }
    %convert_element_type3A_7 = arith.extui %and3A : i1 to i32
    %cond3A_8 = arith.constant 0 : i32
    %cond3A_9 = arith.cmpi ne, %convert_element_type3A_7, %cond3A_8 : i32
    scf.if %cond3A_9 {
      %broadcast_in_dim3A_112 = arith.constant 0.000000e+00 : f32
      %broadcast_in_dim3A_113 = vector.broadcast %broadcast_in_dim3A_112 : f32 to vector<1x1x256xf32>
      %swap3A_114 = arith.constant 0 : index
      %swap3A_115 = arith.constant 0 : index
      %swap3A_116 = arith.constant 0 : index
      %swap3A_117 = vector.load %arg9[%swap3A_114, %swap3A_115, %swap3A_116] : memref<1x1x256xf32, #tpu.memory_space<vmem>>, vector<1x1x256xf32>
      tpu.vector_store %arg9[%swap3A_114, %swap3A_115, %swap3A_116], %broadcast_in_dim3A_113 {strides = array<i32>} : memref<1x1x256xf32, #tpu.memory_space<vmem>>, vector<1x1x256xf32>,
    } else {
    }
    %get3A = arith.constant 0 : index
    %get3A_10 = arith.constant 0 : index
    %get3A_11 = arith.constant 0 : index
    %get3A_12 = arith.constant 0 : index
    %get3A_13 = vector.load %arg3[%get3A, %get3A_10, %get3A_11, %get3A_12] : memref<1x1x1352x256xf32, #tpu.memory_space<vmem>>, vector<1x1x1352x256xf32>
    %get3A_14 = vector.shape_cast %get3A_13 : vector<1x1x1352x256xf32> to vector<1352x256xf32>
    %get3A_15 = arith.constant 0 : index
    %get3A_16 = arith.constant 0 : index
    %get3A_17 = arith.constant 0 : index
    %get3A_18 = arith.constant 0 : index
    %get3A_19 = vector.load %arg5[%get3A_15, %get3A_16, %get3A_17, %get3A_18] : memref<1x1x1x1xf32, #tpu.memory_space<vmem>>, vector<1x1x1x1xf32>
    %get3A_20 = vector.extract %get3A_19[0, 0, 0, 0] : f32 from vector<1x1x1x1xf32>
    %get3A_21 = arith.constant 0 : index
    %get3A_22 = arith.constant 0 : index
    %get3A_23 = arith.constant 0 : index
    %get3A_24 = arith.constant 0 : index
    %get3A_25 = vector.load %arg6[%get3A_21, %get3A_22, %get3A_23, %get3A_24] : memref<1x1x1x1xf32, #tpu.memory_space<vmem>>, vector<1x1x1x1xf32>
    %get3A_26 = vector.extract %get3A_25[0, 0, 0, 0] : f32 from vector<1x1x1x1xf32>
    %get3A_27 = arith.constant 0 : index
    %get3A_28 = arith.constant 0 : index
    %get3A_29 = arith.constant 0 : index
    %get3A_30 = arith.constant 0 : index
    %get3A_31 = vector.load %arg4[%get3A_27, %get3A_28, %get3A_29, %get3A_30] : memref<1x1x1352x1xf32, #tpu.memory_space<vmem>>, vector<1x1x1352x1xf32>
    %get3A_32 = vector.shape_cast %get3A_31 : vector<1x1x1352x1xf32> to vector<1352x1xf32>
    %exp3A = math.exp %get3A_14 : vector<1352x256xf32>
    %add3A = arith.constant 1.000000e+00 : f32
    %add3A_33 = vector.broadcast %add3A : f32 to vector<1352x256xf32>
    %add3A_34 = arith.addf %add3A_33, %exp3A : vector<1352x256xf32>
    %div3A = arith.constant 1.000000e+00 : f32
    %div3A_35 = vector.broadcast %div3A : f32 to vector<1352x256xf32>
    %div3A_36 = arith.divf %div3A_35, %add3A_34 : vector<1352x256xf32>
    %mul3A = vector.broadcast %get3A_26 : f32 to vector<1352x256xf32>
    %mul3A_37 = arith.mulf %mul3A, %div3A_36 : vector<1352x256xf32>
    %add3A_38 = vector.broadcast %get3A_20 : f32 to vector<1352x256xf32>
    %add3A_39 = arith.addf %add3A_38, %mul3A_37 : vector<1352x256xf32>
    %mul3A_40 = arith.mulf %exp3A, %add3A_39 : vector<1352x256xf32>
    %sub3A = vector.broadcast %get3A_32 : vector<1352x1xf32> to vector<1352x256xf32>
    %sub3A_41 = arith.subf %mul3A_40, %sub3A : vector<1352x256xf32>
    %mul3A_42 = arith.mulf %sub3A_41, %sub3A_41 : vector<1352x256xf32>
    %reduce_sum3A = arith.constant dense<0.000000e+00> : vector<256xf32>
    %reduce_sum3A_43 = vector.multi_reduction <add>, %mul3A_42, %reduce_sum3A [0] : vector<1352x256xf32> to vector<256xf32>
    %broadcast_in_dim3A = vector.shape_cast %reduce_sum3A_43 : vector<256xf32> to vector<1x256xf32>
    %get3A_44 = arith.constant 0 : index
    %get3A_45 = arith.constant 0 : index
    %get3A_46 = vector.load %arg8[%get3A_44, %get3A_45] : memref<1x1xf32, #tpu.memory_space<vmem>>, vector<1x1xf32>
    %reduce_sum3A_47 = arith.constant dense<0.000000e+00> : vector<1xf32>
    %reduce_sum3A_48 = vector.multi_reduction <add>, %broadcast_in_dim3A, %reduce_sum3A_47 [1] : vector<1x256xf32> to vector<1xf32>
    %broadcast_in_dim3A_49 = vector.shape_cast %reduce_sum3A_48 : vector<1xf32> to vector<1x1xf32>
    %add3A_50 = arith.addf %get3A_46, %broadcast_in_dim3A_49 : vector<1x1xf32>
    %swap3A = arith.constant 0 : index
    %swap3A_51 = arith.constant 0 : index
    %swap3A_52 = vector.load %arg8[%swap3A, %swap3A_51] : memref<1x1xf32, #tpu.memory_space<vmem>>, vector<1x1xf32>
    tpu.vector_store %arg8[%swap3A, %swap3A_51], %add3A_50 {strides = array<i32>} : memref<1x1xf32, #tpu.memory_space<vmem>>, vector<1x1xf32>,
    %get3A_53 = arith.constant 0 : index
    %get3A_54 = arith.constant 0 : index
    %get3A_55 = vector.load %arg7[%get3A_53, %get3A_54] : memref<1x256xi32, #tpu.memory_space<vmem>>, vector<1x256xi32>
    %jit3A = arith.constant 5 : i32
    %div3A_56 = vector.broadcast %jit3A : i32 to vector<1x256xi32>
    %div3A_57 = arith.divsi %get3A_55, %div3A_56 : vector<1x256xi32>
    %sign3A = arith.constant 0 : i32
    %sign3A_58 = vector.broadcast %sign3A : i32 to vector<1x256xi32>
    %sign3A_59 = arith.cmpi sgt, %get3A_55, %sign3A_58 : vector<1x256xi32>
    %sign3A_60 = arith.extui %sign3A_59 : vector<1x256xi1> to vector<1x256xi32>
    %sign3A_61 = arith.constant 0 : i32
    %sign3A_62 = vector.broadcast %sign3A_61 : i32 to vector<1x256xi32>
    %sign3A_63 = arith.cmpi slt, %get3A_55, %sign3A_62 : vector<1x256xi32>
    %sign3A_64 = arith.extui %sign3A_63 : vector<1x256xi1> to vector<1x256xi32>
    %sign3A_65 = arith.subi %sign3A_60, %sign3A_64 : vector<1x256xi32>
    %sign3A_66 = arith.constant 0 : i32
    %sign3A_67 = arith.cmpi sgt, %jit3A, %sign3A_66 : i32
    %sign3A_68 = arith.extui %sign3A_67 : i1 to i32
    %sign3A_69 = arith.constant 0 : i32
    %sign3A_70 = arith.cmpi slt, %jit3A, %sign3A_69 : i32
    %sign3A_71 = arith.extui %sign3A_70 : i1 to i32
    %sign3A_72 = arith.subi %sign3A_68, %sign3A_71 : i32
    %ne3A = vector.broadcast %sign3A_72 : i32 to vector<1x256xi32>
    %ne3A_73 = arith.cmpi ne, %sign3A_65, %ne3A : vector<1x256xi32>
    %rem3A = vector.broadcast %jit3A : i32 to vector<1x256xi32>
    %rem3A_74 = arith.remsi %get3A_55, %rem3A : vector<1x256xi32>
    %ne3A_75 = arith.constant 0 : i32
    %ne3A_76 = vector.broadcast %ne3A_75 : i32 to vector<1x256xi32>
    %ne3A_77 = arith.cmpi ne, %rem3A_74, %ne3A_76 : vector<1x256xi32>
    %and3A_78 = arith.andi %ne3A_73, %ne3A_77 : vector<1x256xi1>
    %sub3A_79 = arith.constant 1 : i32
    %sub3A_80 = vector.broadcast %sub3A_79 : i32 to vector<1x256xi32>
    %sub3A_81 = arith.subi %div3A_57, %sub3A_80 : vector<1x256xi32>
    %select_n3A = arith.select %and3A_78, %sub3A_81, %div3A_57 : vector<1x256xi1>, vector<1x256xi32>
    %mul3A_82 = arith.constant 5 : i32
    %mul3A_83 = vector.broadcast %mul3A_82 : i32 to vector<1x256xi32>
    %mul3A_84 = arith.muli %select_n3A, %mul3A_83 : vector<1x256xi32>
    %sub3A_85 = arith.subi %get3A_55, %mul3A_84 : vector<1x256xi32>
    %iota3A = tpu.iota {dimensions = array<i32: 0>} : vector<1352x256xi32>
    %mul3A_86 = arith.constant 1352 : i32
    %mul3A_87 = arith.muli %arg2, %mul3A_86 : i32
    %add3A_88 = vector.broadcast %mul3A_87 : i32 to vector<1352x256xi32>
    %add3A_89 = arith.addi %iota3A, %add3A_88 : vector<1352x256xi32>
    %eq3A_90 = vector.broadcast %select_n3A : vector<1x256xi32> to vector<1352x256xi32>
    %eq3A_91 = arith.cmpi eq, %add3A_89, %eq3A_90 : vector<1352x256xi32>
    %eq3A_92 = vector.broadcast %arg1 : i32 to vector<1x256xi32>
    %eq3A_93 = arith.cmpi eq, %sub3A_85, %eq3A_92 : vector<1x256xi32>
    %and3A_94 = vector.broadcast %eq3A_93 : vector<1x256xi1> to vector<1352x256xi1>
    %and3A_95 = arith.andi %eq3A_91, %and3A_94 : vector<1352x256xi1>
    %jit3A_96 = arith.constant 0.000000e+00 : f32
    %broadcast_in_dim3A_97 = vector.broadcast %jit3A_96 : f32 to vector<1352x256xf32>
    %select_n3A_98 = arith.select %and3A_95, %get3A_14, %broadcast_in_dim3A_97 : vector<1352x256xi1>, vector<1352x256xf32>
    %reduce_sum3A_99 = arith.constant dense<0.000000e+00> : vector<256xf32>
    %reduce_sum3A_100 = vector.multi_reduction <add>, %select_n3A_98, %reduce_sum3A_99 [0] : vector<1352x256xf32> to vector<256xf32>
    %broadcast_in_dim3A_101 = vector.shape_cast %reduce_sum3A_100 : vector<256xf32> to vector<1x256xf32>
    %get3A_102 = arith.constant 0 : index
    %get3A_103 = arith.constant 0 : index
    %get3A_104 = arith.constant 0 : index
    %get3A_105 = vector.load %arg9[%get3A_102, %get3A_103, %get3A_104] : memref<1x1x256xf32, #tpu.memory_space<vmem>>, vector<1x1x256xf32>
    %broadcast_in_dim3A_106 = vector.shape_cast %broadcast_in_dim3A_101 : vector<1x256xf32> to vector<1x1x256xf32>
    %add3A_107 = arith.addf %get3A_105, %broadcast_in_dim3A_106 : vector<1x1x256xf32>
    %swap3A_108 = arith.constant 0 : index
    %swap3A_109 = arith.constant 0 : index
    %swap3A_110 = arith.constant 0 : index
    %swap3A_111 = vector.load %arg9[%swap3A_108, %swap3A_109, %swap3A_110] : memref<1x1x256xf32, #tpu.memory_space<vmem>>, vector<1x1x256xf32>
    tpu.vector_store %arg9[%swap3A_108, %swap3A_109, %swap3A_110], %add3A_107 {strides = array<i32>} : memref<1x1x256xf32, #tpu.memory_space<vmem>>, vector<1x1x256xf32>,
    return
  }
  func.func @transform_0(%arg0: i32, %arg1: i32, %arg2: i32) -> (i32, i32, i32, i32) {
    %c0_i32 = arith.constant 0 : i32
    %c0_i32_0 = arith.constant 0 : i32
    return %arg1, %arg0, %arg2, %c0_i32 : i32, i32, i32, i32
  }
  func.func @transform_1(%arg0: i32, %arg1: i32, %arg2: i32) -> (i32, i32, i32, i32) {
    %c0_i32 = arith.constant 0 : i32
    %c0_i32_0 = arith.constant 0 : i32
    return %arg1, %arg0, %arg2, %c0_i32 : i32, i32, i32, i32
  }
  func.func @transform_2(%arg0: i32, %arg1: i32, %arg2: i32) -> (i32, i32, i32, i32) {
    %c0_i32 = arith.constant 0 : i32
    %c0_i32_0 = arith.constant 0 : i32
    %c0_i32_1 = arith.constant 0 : i32
    return %arg1, %arg0, %c0_i32, %c0_i32_0 : i32, i32, i32, i32
  }
  func.func @transform_3(%arg0: i32, %arg1: i32, %arg2: i32) -> (i32, i32, i32, i32) {
    %c0_i32 = arith.constant 0 : i32
    %c0_i32_0 = arith.constant 0 : i32
    %c0_i32_1 = arith.constant 0 : i32
    return %arg1, %arg0, %c0_i32, %c0_i32_0 : i32, i32, i32, i32
  }
  func.func @transform_4(%arg0: i32, %arg1: i32, %arg2: i32) -> (i32, i32) {
    %c0_i32 = arith.constant 0 : i32
    %c0_i32_0 = arith.constant 0 : i32
    %c0_i32_1 = arith.constant 0 : i32
    return %c0_i32, %c0_i32_0 : i32, i32
  }
  func.func @transform_5(%arg0: i32, %arg1: i32, %arg2: i32) -> (i32, i32) {
    %c0_i32 = arith.constant 0 : i32
    %c0_i32_0 = arith.constant 0 : i32
    %c0_i32_1 = arith.constant 0 : i32
    return %c0_i32, %c0_i32_0 : i32, i32
  }
  func.func @transform_6(%arg0: i32, %arg1: i32, %arg2: i32) -> (i32, i32, i32) {
    %c0_i32 = arith.constant 0 : i32
    %c0_i32_0 = arith.constant 0 : i32
    %c0_i32_1 = arith.constant 0 : i32
    return %arg0, %c0_i32, %c0_i32_0 : i32, i32, i32
  }
}

module attributes {stable_mosaic.version = 14 : i64} {
  func.func @_epi_body(%arg0: memref<1x1xf32, #tpu.memory_space<vmem>>, %arg1: memref<5x256xf32, #tpu.memory_space<vmem>>, %arg2: memref<1x256xi32, #tpu.memory_space<vmem>>, %arg3: memref<4x256xf32, #tpu.memory_space<vmem>>, %arg4: memref<1x1xf32, #tpu.memory_space<vmem>>) attributes {dimension_semantics = [], scalar_prefetch = 0 : i64, scratch_operands = 0 : i64, tpu.core_type = #tpu.core_type<tc>} {
    %get3A = arith.constant 0 : index
    %get3A_0 = arith.constant 0 : index
    %get3A_1 = vector.load %arg2[%get3A, %get3A_0] : memref<1x256xi32, #tpu.memory_space<vmem>>, vector<1x256xi32>
    %jit3A = arith.constant 5 : i32
    %div3A = vector.broadcast %jit3A : i32 to vector<1x256xi32>
    %div3A_2 = arith.divsi %get3A_1, %div3A : vector<1x256xi32>
    %sign3A = arith.constant 0 : i32
    %sign3A_3 = vector.broadcast %sign3A : i32 to vector<1x256xi32>
    %sign3A_4 = arith.cmpi sgt, %get3A_1, %sign3A_3 : vector<1x256xi32>
    %sign3A_5 = arith.extui %sign3A_4 : vector<1x256xi1> to vector<1x256xi32>
    %sign3A_6 = arith.constant 0 : i32
    %sign3A_7 = vector.broadcast %sign3A_6 : i32 to vector<1x256xi32>
    %sign3A_8 = arith.cmpi slt, %get3A_1, %sign3A_7 : vector<1x256xi32>
    %sign3A_9 = arith.extui %sign3A_8 : vector<1x256xi1> to vector<1x256xi32>
    %sign3A_10 = arith.subi %sign3A_5, %sign3A_9 : vector<1x256xi32>
    %sign3A_11 = arith.constant 0 : i32
    %sign3A_12 = arith.cmpi sgt, %jit3A, %sign3A_11 : i32
    %sign3A_13 = arith.extui %sign3A_12 : i1 to i32
    %sign3A_14 = arith.constant 0 : i32
    %sign3A_15 = arith.cmpi slt, %jit3A, %sign3A_14 : i32
    %sign3A_16 = arith.extui %sign3A_15 : i1 to i32
    %sign3A_17 = arith.subi %sign3A_13, %sign3A_16 : i32
    %ne3A = vector.broadcast %sign3A_17 : i32 to vector<1x256xi32>
    %ne3A_18 = arith.cmpi ne, %sign3A_10, %ne3A : vector<1x256xi32>
    %rem3A = vector.broadcast %jit3A : i32 to vector<1x256xi32>
    %rem3A_19 = arith.remsi %get3A_1, %rem3A : vector<1x256xi32>
    %ne3A_20 = arith.constant 0 : i32
    %ne3A_21 = vector.broadcast %ne3A_20 : i32 to vector<1x256xi32>
    %ne3A_22 = arith.cmpi ne, %rem3A_19, %ne3A_21 : vector<1x256xi32>
    %and3A = arith.andi %ne3A_18, %ne3A_22 : vector<1x256xi1>
    %sub3A = arith.constant 1 : i32
    %sub3A_23 = vector.broadcast %sub3A : i32 to vector<1x256xi32>
    %sub3A_24 = arith.subi %div3A_2, %sub3A_23 : vector<1x256xi32>
    %select_n3A = arith.select %and3A, %sub3A_24, %div3A_2 : vector<1x256xi1>, vector<1x256xi32>
    %mul3A = arith.constant 5 : i32
    %mul3A_25 = vector.broadcast %mul3A : i32 to vector<1x256xi32>
    %mul3A_26 = arith.muli %select_n3A, %mul3A_25 : vector<1x256xi32>
    %sub3A_27 = arith.subi %get3A_1, %mul3A_26 : vector<1x256xi32>
    %jit3A_28 = arith.constant 52 : i32
    %div3A_29 = vector.broadcast %jit3A_28 : i32 to vector<1x256xi32>
    %div3A_30 = arith.divsi %select_n3A, %div3A_29 : vector<1x256xi32>
    %sign3A_31 = arith.constant 0 : i32
    %sign3A_32 = vector.broadcast %sign3A_31 : i32 to vector<1x256xi32>
    %sign3A_33 = arith.cmpi sgt, %select_n3A, %sign3A_32 : vector<1x256xi32>
    %sign3A_34 = arith.extui %sign3A_33 : vector<1x256xi1> to vector<1x256xi32>
    %sign3A_35 = arith.constant 0 : i32
    %sign3A_36 = vector.broadcast %sign3A_35 : i32 to vector<1x256xi32>
    %sign3A_37 = arith.cmpi slt, %select_n3A, %sign3A_36 : vector<1x256xi32>
    %sign3A_38 = arith.extui %sign3A_37 : vector<1x256xi1> to vector<1x256xi32>
    %sign3A_39 = arith.subi %sign3A_34, %sign3A_38 : vector<1x256xi32>
    %sign3A_40 = arith.constant 0 : i32
    %sign3A_41 = arith.cmpi sgt, %jit3A_28, %sign3A_40 : i32
    %sign3A_42 = arith.extui %sign3A_41 : i1 to i32
    %sign3A_43 = arith.constant 0 : i32
    %sign3A_44 = arith.cmpi slt, %jit3A_28, %sign3A_43 : i32
    %sign3A_45 = arith.extui %sign3A_44 : i1 to i32
    %sign3A_46 = arith.subi %sign3A_42, %sign3A_45 : i32
    %ne3A_47 = vector.broadcast %sign3A_46 : i32 to vector<1x256xi32>
    %ne3A_48 = arith.cmpi ne, %sign3A_39, %ne3A_47 : vector<1x256xi32>
    %rem3A_49 = vector.broadcast %jit3A_28 : i32 to vector<1x256xi32>
    %rem3A_50 = arith.remsi %select_n3A, %rem3A_49 : vector<1x256xi32>
    %ne3A_51 = arith.constant 0 : i32
    %ne3A_52 = vector.broadcast %ne3A_51 : i32 to vector<1x256xi32>
    %ne3A_53 = arith.cmpi ne, %rem3A_50, %ne3A_52 : vector<1x256xi32>
    %and3A_54 = arith.andi %ne3A_48, %ne3A_53 : vector<1x256xi1>
    %sub3A_55 = arith.constant 1 : i32
    %sub3A_56 = vector.broadcast %sub3A_55 : i32 to vector<1x256xi32>
    %sub3A_57 = arith.subi %div3A_30, %sub3A_56 : vector<1x256xi32>
    %select_n3A_58 = arith.select %and3A_54, %sub3A_57, %div3A_30 : vector<1x256xi1>, vector<1x256xi32>
    %mul3A_59 = arith.constant 52 : i32
    %mul3A_60 = vector.broadcast %mul3A_59 : i32 to vector<1x256xi32>
    %mul3A_61 = arith.muli %select_n3A_58, %mul3A_60 : vector<1x256xi32>
    %sub3A_62 = arith.subi %select_n3A, %mul3A_61 : vector<1x256xi32>
    %convert_element_type3A = arith.sitofp %select_n3A_58 : vector<1x256xi32> to vector<1x256xf32>
    %add3A = arith.constant 5.000000e-01 : f32
    %add3A_63 = vector.broadcast %add3A : f32 to vector<1x256xf32>
    %add3A_64 = arith.addf %convert_element_type3A, %add3A_63 : vector<1x256xf32>
    %div3A_65 = arith.constant 5.200000e+01 : f32
    %div3A_66 = vector.broadcast %div3A_65 : f32 to vector<1x256xf32>
    %div3A_67 = arith.divf %add3A_64, %div3A_66 : vector<1x256xf32>
    %convert_element_type3A_68 = arith.sitofp %sub3A_62 : vector<1x256xi32> to vector<1x256xf32>
    %add3A_69 = arith.constant 5.000000e-01 : f32
    %add3A_70 = vector.broadcast %add3A_69 : f32 to vector<1x256xf32>
    %add3A_71 = arith.addf %convert_element_type3A_68, %add3A_70 : vector<1x256xf32>
    %div3A_72 = arith.constant 5.200000e+01 : f32
    %div3A_73 = vector.broadcast %div3A_72 : f32 to vector<1x256xf32>
    %div3A_74 = arith.divf %add3A_71, %div3A_73 : vector<1x256xf32>
    %broadcast_in_dim3A = arith.constant 5.000000e-02 : f32
    %broadcast_in_dim3A_75 = vector.broadcast %broadcast_in_dim3A : f32 to vector<1x256xf32>
    %broadcast_in_dim3A_76 = arith.constant 7.000000e-02 : f32
    %broadcast_in_dim3A_77 = vector.broadcast %broadcast_in_dim3A_76 : f32 to vector<1x256xf32>
    %eq3A = arith.constant 1 : i32
    %eq3A_78 = vector.broadcast %eq3A : i32 to vector<1x256xi32>
    %eq3A_79 = arith.cmpi eq, %sub3A_27, %eq3A_78 : vector<1x256xi32>
    %jit3A_80 = arith.constant 1.100000e-01 : f32
    %broadcast_in_dim3A_81 = vector.broadcast %jit3A_80 : f32 to vector<1x256xf32>
    %select_n3A_82 = arith.select %eq3A_79, %broadcast_in_dim3A_81, %broadcast_in_dim3A_75 : vector<1x256xi1>, vector<1x256xf32>
    %eq3A_83 = arith.constant 1 : i32
    %eq3A_84 = vector.broadcast %eq3A_83 : i32 to vector<1x256xi32>
    %eq3A_85 = arith.cmpi eq, %sub3A_27, %eq3A_84 : vector<1x256xi32>
    %jit3A_86 = arith.constant 1.500000e-01 : f32
    %broadcast_in_dim3A_87 = vector.broadcast %jit3A_86 : f32 to vector<1x256xf32>
    %select_n3A_88 = arith.select %eq3A_85, %broadcast_in_dim3A_87, %broadcast_in_dim3A_77 : vector<1x256xi1>, vector<1x256xf32>
    %eq3A_89 = arith.constant 2 : i32
    %eq3A_90 = vector.broadcast %eq3A_89 : i32 to vector<1x256xi32>
    %eq3A_91 = arith.cmpi eq, %sub3A_27, %eq3A_90 : vector<1x256xi32>
    %jit3A_92 = arith.constant 2.000000e-01 : f32
    %broadcast_in_dim3A_93 = vector.broadcast %jit3A_92 : f32 to vector<1x256xf32>
    %select_n3A_94 = arith.select %eq3A_91, %broadcast_in_dim3A_93, %select_n3A_82 : vector<1x256xi1>, vector<1x256xf32>
    %eq3A_95 = arith.constant 2 : i32
    %eq3A_96 = vector.broadcast %eq3A_95 : i32 to vector<1x256xi32>
    %eq3A_97 = arith.cmpi eq, %sub3A_27, %eq3A_96 : vector<1x256xi32>
    %jit3A_98 = arith.constant 3.000000e-01 : f32
    %broadcast_in_dim3A_99 = vector.broadcast %jit3A_98 : f32 to vector<1x256xf32>
    %select_n3A_100 = arith.select %eq3A_97, %broadcast_in_dim3A_99, %select_n3A_88 : vector<1x256xi1>, vector<1x256xf32>
    %eq3A_101 = arith.constant 3 : i32
    %eq3A_102 = vector.broadcast %eq3A_101 : i32 to vector<1x256xi32>
    %eq3A_103 = arith.cmpi eq, %sub3A_27, %eq3A_102 : vector<1x256xi32>
    %jit3A_104 = arith.constant 3.500000e-01 : f32
    %broadcast_in_dim3A_105 = vector.broadcast %jit3A_104 : f32 to vector<1x256xf32>
    %select_n3A_106 = arith.select %eq3A_103, %broadcast_in_dim3A_105, %select_n3A_94 : vector<1x256xi1>, vector<1x256xf32>
    %eq3A_107 = arith.constant 3 : i32
    %eq3A_108 = vector.broadcast %eq3A_107 : i32 to vector<1x256xi32>
    %eq3A_109 = arith.cmpi eq, %sub3A_27, %eq3A_108 : vector<1x256xi32>
    %jit3A_110 = arith.constant 5.000000e-01 : f32
    %broadcast_in_dim3A_111 = vector.broadcast %jit3A_110 : f32 to vector<1x256xf32>
    %select_n3A_112 = arith.select %eq3A_109, %broadcast_in_dim3A_111, %select_n3A_100 : vector<1x256xi1>, vector<1x256xf32>
    %eq3A_113 = arith.constant 4 : i32
    %eq3A_114 = vector.broadcast %eq3A_113 : i32 to vector<1x256xi32>
    %eq3A_115 = arith.cmpi eq, %sub3A_27, %eq3A_114 : vector<1x256xi32>
    %jit3A_116 = arith.constant 0.699999988 : f32
    %broadcast_in_dim3A_117 = vector.broadcast %jit3A_116 : f32 to vector<1x256xf32>
    %select_n3A_118 = arith.select %eq3A_115, %broadcast_in_dim3A_117, %select_n3A_106 : vector<1x256xi1>, vector<1x256xf32>
    %eq3A_119 = arith.constant 4 : i32
    %eq3A_120 = vector.broadcast %eq3A_119 : i32 to vector<1x256xi32>
    %eq3A_121 = arith.cmpi eq, %sub3A_27, %eq3A_120 : vector<1x256xi32>
    %jit3A_122 = arith.constant 8.000000e-01 : f32
    %broadcast_in_dim3A_123 = vector.broadcast %jit3A_122 : f32 to vector<1x256xf32>
    %select_n3A_124 = arith.select %eq3A_121, %broadcast_in_dim3A_123, %select_n3A_112 : vector<1x256xi1>, vector<1x256xf32>
    %get3A_125 = arith.constant 0 : index
    %get3A_126 = arith.constant 0 : index
    %get3A_127 = vector.load %arg1[%get3A_125, %get3A_126] : memref<5x256xf32, #tpu.memory_space<vmem>>, vector<1x256xf32>
    %logistic3A = arith.negf %get3A_127 : vector<1x256xf32>
    %logistic3A_128 = math.exp %logistic3A : vector<1x256xf32>
    %logistic3A_129 = arith.constant 1.000000e+00 : f32
    %logistic3A_130 = vector.broadcast %logistic3A_129 : f32 to vector<1x256xf32>
    %logistic3A_131 = arith.addf %logistic3A_130, %logistic3A_128 : vector<1x256xf32>
    %logistic3A_132 = arith.divf %logistic3A_130, %logistic3A_131 : vector<1x256xf32>
    %get3A_133 = arith.constant 1 : index
    %get3A_134 = arith.constant 0 : index
    %get3A_135 = vector.load %arg1[%get3A_133, %get3A_134] : memref<5x256xf32, #tpu.memory_space<vmem>>, vector<1x256xf32>
    %logistic3A_136 = arith.negf %get3A_135 : vector<1x256xf32>
    %logistic3A_137 = math.exp %logistic3A_136 : vector<1x256xf32>
    %logistic3A_138 = arith.constant 1.000000e+00 : f32
    %logistic3A_139 = vector.broadcast %logistic3A_138 : f32 to vector<1x256xf32>
    %logistic3A_140 = arith.addf %logistic3A_139, %logistic3A_137 : vector<1x256xf32>
    %logistic3A_141 = arith.divf %logistic3A_139, %logistic3A_140 : vector<1x256xf32>
    %get3A_142 = arith.constant 2 : index
    %get3A_143 = arith.constant 0 : index
    %get3A_144 = vector.load %arg1[%get3A_142, %get3A_143] : memref<5x256xf32, #tpu.memory_space<vmem>>, vector<1x256xf32>
    %exp3A = math.exp %get3A_144 : vector<1x256xf32>
    %mul3A_145 = arith.mulf %exp3A, %select_n3A_118 : vector<1x256xf32>
    %get3A_146 = arith.constant 3 : index
    %get3A_147 = arith.constant 0 : index
    %get3A_148 = vector.load %arg1[%get3A_146, %get3A_147] : memref<5x256xf32, #tpu.memory_space<vmem>>, vector<1x256xf32>
    %exp3A_149 = math.exp %get3A_148 : vector<1x256xf32>
    %mul3A_150 = arith.mulf %exp3A_149, %select_n3A_124 : vector<1x256xf32>
    %get3A_151 = arith.constant 4 : index
    %get3A_152 = arith.constant 0 : index
    %get3A_153 = vector.load %arg1[%get3A_151, %get3A_152] : memref<5x256xf32, #tpu.memory_space<vmem>>, vector<1x256xf32>
    %logistic3A_154 = arith.negf %get3A_153 : vector<1x256xf32>
    %logistic3A_155 = math.exp %logistic3A_154 : vector<1x256xf32>
    %logistic3A_156 = arith.constant 1.000000e+00 : f32
    %logistic3A_157 = vector.broadcast %logistic3A_156 : f32 to vector<1x256xf32>
    %logistic3A_158 = arith.addf %logistic3A_157, %logistic3A_155 : vector<1x256xf32>
    %logistic3A_159 = arith.divf %logistic3A_157, %logistic3A_158 : vector<1x256xf32>
    %sub3A_160 = arith.subf %logistic3A_132, %div3A_67 : vector<1x256xf32>
    %integer_pow3A = arith.mulf %sub3A_160, %sub3A_160 : vector<1x256xf32>
    %sub3A_161 = arith.subf %logistic3A_141, %div3A_74 : vector<1x256xf32>
    %integer_pow3A_162 = arith.mulf %sub3A_161, %sub3A_161 : vector<1x256xf32>
    %add3A_163 = arith.addf %integer_pow3A, %integer_pow3A_162 : vector<1x256xf32>
    %sub3A_164 = arith.subf %mul3A_145, %select_n3A_118 : vector<1x256xf32>
    %integer_pow3A_165 = arith.mulf %sub3A_164, %sub3A_164 : vector<1x256xf32>
    %add3A_166 = arith.addf %add3A_163, %integer_pow3A_165 : vector<1x256xf32>
    %sub3A_167 = arith.subf %mul3A_150, %select_n3A_124 : vector<1x256xf32>
    %integer_pow3A_168 = arith.mulf %sub3A_167, %sub3A_167 : vector<1x256xf32>
    %add3A_169 = arith.addf %add3A_166, %integer_pow3A_168 : vector<1x256xf32>
    %mul3A_170 = arith.mulf %logistic3A_159, %logistic3A_159 : vector<1x256xf32>
    %reduce_sum3A = arith.constant dense<0.000000e+00> : vector<1xf32>
    %reduce_sum3A_171 = vector.multi_reduction <add>, %add3A_169, %reduce_sum3A [1] : vector<1x256xf32> to vector<1xf32>
    %broadcast_in_dim3A_172 = vector.shape_cast %reduce_sum3A_171 : vector<1xf32> to vector<1x1xf32>
    %mul3A_173 = arith.constant 7.22362969E-8 : f32
    %mul3A_174 = vector.broadcast %mul3A_173 : f32 to vector<1x1xf32>
    %mul3A_175 = arith.mulf %broadcast_in_dim3A_172, %mul3A_174 : vector<1x1xf32>
    %reduce_sum3A_176 = arith.constant dense<0.000000e+00> : vector<1xf32>
    %reduce_sum3A_177 = vector.multi_reduction <add>, %mul3A_170, %reduce_sum3A_176 [1] : vector<1x256xf32> to vector<1xf32>
    %broadcast_in_dim3A_178 = vector.shape_cast %reduce_sum3A_177 : vector<1xf32> to vector<1x1xf32>
    %mul3A_179 = arith.constant 2.88945188E-7 : f32
    %mul3A_180 = vector.broadcast %mul3A_179 : f32 to vector<1x1xf32>
    %mul3A_181 = arith.mulf %broadcast_in_dim3A_178, %mul3A_180 : vector<1x1xf32>
    %add3A_182 = arith.addf %mul3A_175, %mul3A_181 : vector<1x1xf32>
    %get3A_183 = arith.constant 0 : index
    %get3A_184 = arith.constant 0 : index
    %get3A_185 = vector.load %arg3[%get3A_183, %get3A_184] : memref<4x256xf32, #tpu.memory_space<vmem>>, vector<1x256xf32>
    %get3A_186 = arith.constant 1 : index
    %get3A_187 = arith.constant 0 : index
    %get3A_188 = vector.load %arg3[%get3A_186, %get3A_187] : memref<4x256xf32, #tpu.memory_space<vmem>>, vector<1x256xf32>
    %get3A_189 = arith.constant 2 : index
    %get3A_190 = arith.constant 0 : index
    %get3A_191 = vector.load %arg3[%get3A_189, %get3A_190] : memref<4x256xf32, #tpu.memory_space<vmem>>, vector<1x256xf32>
    %get3A_192 = arith.constant 3 : index
    %get3A_193 = arith.constant 0 : index
    %get3A_194 = vector.load %arg3[%get3A_192, %get3A_193] : memref<4x256xf32, #tpu.memory_space<vmem>>, vector<1x256xf32>
    %sub3A_195 = arith.subf %logistic3A_132, %get3A_185 : vector<1x256xf32>
    %integer_pow3A_196 = arith.mulf %sub3A_195, %sub3A_195 : vector<1x256xf32>
    %sub3A_197 = arith.subf %logistic3A_141, %get3A_188 : vector<1x256xf32>
    %integer_pow3A_198 = arith.mulf %sub3A_197, %sub3A_197 : vector<1x256xf32>
    %add3A_199 = arith.addf %integer_pow3A_196, %integer_pow3A_198 : vector<1x256xf32>
    %sub3A_200 = arith.subf %mul3A_145, %get3A_191 : vector<1x256xf32>
    %integer_pow3A_201 = arith.mulf %sub3A_200, %sub3A_200 : vector<1x256xf32>
    %add3A_202 = arith.addf %add3A_199, %integer_pow3A_201 : vector<1x256xf32>
    %sub3A_203 = arith.subf %mul3A_150, %get3A_194 : vector<1x256xf32>
    %integer_pow3A_204 = arith.mulf %sub3A_203, %sub3A_203 : vector<1x256xf32>
    %add3A_205 = arith.addf %add3A_202, %integer_pow3A_204 : vector<1x256xf32>
    %reduce_sum3A_206 = arith.constant dense<0.000000e+00> : vector<1xf32>
    %reduce_sum3A_207 = vector.multi_reduction <add>, %add3A_205, %reduce_sum3A_206 [1] : vector<1x256xf32> to vector<1xf32>
    %broadcast_in_dim3A_208 = vector.shape_cast %reduce_sum3A_207 : vector<1xf32> to vector<1x1xf32>
    %div3A_209 = arith.constant 1.024000e+03 : f32
    %div3A_210 = vector.broadcast %div3A_209 : f32 to vector<1x1xf32>
    %div3A_211 = arith.divf %broadcast_in_dim3A_208, %div3A_210 : vector<1x1xf32>
    %mul3A_212 = arith.constant 5.000000e-01 : f32
    %mul3A_213 = vector.broadcast %mul3A_212 : f32 to vector<1x256xf32>
    %mul3A_214 = arith.mulf %get3A_191, %mul3A_213 : vector<1x256xf32>
    %sub3A_215 = arith.subf %get3A_185, %mul3A_214 : vector<1x256xf32>
    %max3A = arith.constant 0.000000e+00 : f32
    %max3A_216 = vector.broadcast %max3A : f32 to vector<1x256xf32>
    %max3A_217 = arith.maximumf %sub3A_215, %max3A_216 : vector<1x256xf32>
    %mul3A_218 = arith.constant 5.000000e-01 : f32
    %mul3A_219 = vector.broadcast %mul3A_218 : f32 to vector<1x256xf32>
    %mul3A_220 = arith.mulf %get3A_194, %mul3A_219 : vector<1x256xf32>
    %sub3A_221 = arith.subf %get3A_188, %mul3A_220 : vector<1x256xf32>
    %max3A_222 = arith.constant 0.000000e+00 : f32
    %max3A_223 = vector.broadcast %max3A_222 : f32 to vector<1x256xf32>
    %max3A_224 = arith.maximumf %sub3A_221, %max3A_223 : vector<1x256xf32>
    %mul3A_225 = arith.constant 5.000000e-01 : f32
    %mul3A_226 = vector.broadcast %mul3A_225 : f32 to vector<1x256xf32>
    %mul3A_227 = arith.mulf %get3A_191, %mul3A_226 : vector<1x256xf32>
    %add3A_228 = arith.addf %get3A_185, %mul3A_227 : vector<1x256xf32>
    %min3A = arith.constant 1.000000e+00 : f32
    %min3A_229 = vector.broadcast %min3A : f32 to vector<1x256xf32>
    %min3A_230 = arith.minimumf %add3A_228, %min3A_229 : vector<1x256xf32>
    %mul3A_231 = arith.constant 5.000000e-01 : f32
    %mul3A_232 = vector.broadcast %mul3A_231 : f32 to vector<1x256xf32>
    %mul3A_233 = arith.mulf %get3A_194, %mul3A_232 : vector<1x256xf32>
    %add3A_234 = arith.addf %get3A_188, %mul3A_233 : vector<1x256xf32>
    %min3A_235 = arith.constant 1.000000e+00 : f32
    %min3A_236 = vector.broadcast %min3A_235 : f32 to vector<1x256xf32>
    %min3A_237 = arith.minimumf %add3A_234, %min3A_236 : vector<1x256xf32>
    %mul3A_238 = arith.constant 5.000000e-01 : f32
    %mul3A_239 = vector.broadcast %mul3A_238 : f32 to vector<1x256xf32>
    %mul3A_240 = arith.mulf %mul3A_145, %mul3A_239 : vector<1x256xf32>
    %sub3A_241 = arith.subf %logistic3A_132, %mul3A_240 : vector<1x256xf32>
    %max3A_242 = arith.constant 0.000000e+00 : f32
    %max3A_243 = vector.broadcast %max3A_242 : f32 to vector<1x256xf32>
    %max3A_244 = arith.maximumf %sub3A_241, %max3A_243 : vector<1x256xf32>
    %mul3A_245 = arith.constant 5.000000e-01 : f32
    %mul3A_246 = vector.broadcast %mul3A_245 : f32 to vector<1x256xf32>
    %mul3A_247 = arith.mulf %mul3A_150, %mul3A_246 : vector<1x256xf32>
    %sub3A_248 = arith.subf %logistic3A_141, %mul3A_247 : vector<1x256xf32>
    %max3A_249 = arith.constant 0.000000e+00 : f32
    %max3A_250 = vector.broadcast %max3A_249 : f32 to vector<1x256xf32>
    %max3A_251 = arith.maximumf %sub3A_248, %max3A_250 : vector<1x256xf32>
    %mul3A_252 = arith.constant 5.000000e-01 : f32
    %mul3A_253 = vector.broadcast %mul3A_252 : f32 to vector<1x256xf32>
    %mul3A_254 = arith.mulf %mul3A_145, %mul3A_253 : vector<1x256xf32>
    %add3A_255 = arith.addf %logistic3A_132, %mul3A_254 : vector<1x256xf32>
    %min3A_256 = arith.constant 1.000000e+00 : f32
    %min3A_257 = vector.broadcast %min3A_256 : f32 to vector<1x256xf32>
    %min3A_258 = arith.minimumf %add3A_255, %min3A_257 : vector<1x256xf32>
    %mul3A_259 = arith.constant 5.000000e-01 : f32
    %mul3A_260 = vector.broadcast %mul3A_259 : f32 to vector<1x256xf32>
    %mul3A_261 = arith.mulf %mul3A_150, %mul3A_260 : vector<1x256xf32>
    %add3A_262 = arith.addf %logistic3A_141, %mul3A_261 : vector<1x256xf32>
    %min3A_263 = arith.constant 1.000000e+00 : f32
    %min3A_264 = vector.broadcast %min3A_263 : f32 to vector<1x256xf32>
    %min3A_265 = arith.minimumf %add3A_262, %min3A_264 : vector<1x256xf32>
    %max3A_266 = arith.maximumf %max3A_217, %max3A_244 : vector<1x256xf32>
    %max3A_267 = arith.maximumf %max3A_224, %max3A_251 : vector<1x256xf32>
    %min3A_268 = arith.minimumf %min3A_230, %min3A_258 : vector<1x256xf32>
    %min3A_269 = arith.minimumf %min3A_237, %min3A_265 : vector<1x256xf32>
    %mul3A_270 = arith.mulf %min3A_230, %min3A_237 : vector<1x256xf32>
    %mul3A_271 = arith.mulf %min3A_258, %min3A_265 : vector<1x256xf32>
    %sub3A_272 = arith.subf %min3A_268, %max3A_266 : vector<1x256xf32>
    %max3A_273 = arith.constant 0.000000e+00 : f32
    %max3A_274 = vector.broadcast %max3A_273 : f32 to vector<1x256xf32>
    %max3A_275 = arith.maximumf %sub3A_272, %max3A_274 : vector<1x256xf32>
    %sub3A_276 = arith.subf %min3A_269, %max3A_267 : vector<1x256xf32>
    %max3A_277 = arith.constant 0.000000e+00 : f32
    %max3A_278 = vector.broadcast %max3A_277 : f32 to vector<1x256xf32>
    %max3A_279 = arith.maximumf %sub3A_276, %max3A_278 : vector<1x256xf32>
    %mul3A_280 = arith.mulf %max3A_275, %max3A_279 : vector<1x256xf32>
    %add3A_281 = arith.addf %mul3A_270, %mul3A_271 : vector<1x256xf32>
    %sub3A_282 = arith.subf %add3A_281, %mul3A_280 : vector<1x256xf32>
    %div3A_283 = arith.divf %mul3A_280, %sub3A_282 : vector<1x256xf32>
    %sub3A_284 = arith.subf %logistic3A_159, %div3A_283 : vector<1x256xf32>
    %integer_pow3A_285 = arith.mulf %sub3A_284, %sub3A_284 : vector<1x256xf32>
    %reduce_sum3A_286 = arith.constant dense<0.000000e+00> : vector<1xf32>
    %reduce_sum3A_287 = vector.multi_reduction <add>, %integer_pow3A_285, %reduce_sum3A_286 [1] : vector<1x256xf32> to vector<1xf32>
    %broadcast_in_dim3A_288 = vector.shape_cast %reduce_sum3A_287 : vector<1xf32> to vector<1x1xf32>
    %div3A_289 = arith.constant 2.560000e+02 : f32
    %div3A_290 = vector.broadcast %div3A_289 : f32 to vector<1x1xf32>
    %div3A_291 = arith.divf %broadcast_in_dim3A_288, %div3A_290 : vector<1x1xf32>
    %get3A_292 = arith.constant 0 : index
    %get3A_293 = arith.constant 0 : index
    %get3A_294 = vector.load %arg0[%get3A_292, %get3A_293] : memref<1x1xf32, #tpu.memory_space<vmem>>, vector<1x1xf32>
    %sub3A_295 = arith.subf %get3A_294, %add3A_182 : vector<1x1xf32>
    %add3A_296 = arith.addf %sub3A_295, %div3A_211 : vector<1x1xf32>
    %add3A_297 = arith.addf %add3A_296, %div3A_291 : vector<1x1xf32>
    %swap3A = arith.constant 0 : index
    %swap3A_298 = arith.constant 0 : index
    %swap3A_299 = vector.load %arg4[%swap3A, %swap3A_298] : memref<1x1xf32, #tpu.memory_space<vmem>>, vector<1x1xf32>
    tpu.vector_store %arg4[%swap3A, %swap3A_298], %add3A_297 {strides = array<i32>} : memref<1x1xf32, #tpu.memory_space<vmem>>, vector<1x1xf32>,
    return
  }
}

</mosaic_0001>

<sc_bundles>
// kernel: kernel.5.cloned.1.call-start
scs
__scs_entry_jumppad:
0x0: {  	(pc) =	sbr.rel $0x88, $3  }
0x1: {  	(tag) =	ssettag $0x0;
	lr =	simm.s32 $0x1  }
0x2: {  	[smem:$0x3F9F] =	sst lr;
	_ =	strace $0xD0000000  }
0x3: {  	_ = 	snop  }
0x4: {  	_ = 	snop  }
0x5: {  	_ = 	snop  }
0x6: {  	_ = 	snop  }
0x7: {  	_ = 	snop  }
__scs_overlays_trampoline_lowered:
0x8: {  	[smem:$0x3FAE] =	sst s0  }
0x9: {  	[smem:$0x3FAF] =	sst s1  }
0xa: {  	[smem:$0x3FB0] =	sst s2  }
0xb: {  	[smem:$0x3FB1] =	sst s3  }
0xc: {  	[smem:$0x3FB2] =	sst s4  }
0xd: {  	[smem:$0x3FB3] =	sst s5  }
0xe: {  	[smem:$0x3FB4] =	sst s6  }
0xf: {  	[smem:$0x3FB5] =	sst s7  }
0x10: {  	[smem:$0x3FB6] =	sst s8  }
0x11: {  	[smem:$0x3FB7] =	sst s9;
	s0 =	simm.s32 @!p0 $0x0  }
0x12: {  	s1 =	sld [smem:$0x3F9D];
	s0 =	simm.s32 @p0 $0x1  }
0x13: {  	[smem:$0x3FB8] =	sst s0;
	s0 =	simm.s32 @!p1 $0x0  }
0x14: {  	s2 =	sld [smem:$0x3F9C];
	s0 =	simm.s32 @p1 $0x1  }
0x15: {  	[smem:$0x3FB9] =	sst s0;
	s0 =	simm.s32 @!p2 $0x0  }
0x16: {  	s3 =	sld [smem:$0x3FDB];
	s0 =	simm.s32 @p2 $0x1  }
0x17: {  	s4 =	simm.s32 $0x1BF5;
	[smem:$0x3FBB] =	sst s0  }
0x18: {  	s0 =	sld [smem:$0x3F9E];
	_ =	swait.ge [sflag:s4], $0x0  }
0x19: {  	s7 =	sld [smem:$0x3F9F]  }
0x1a: {  	s8 =	sadd.s32 $0xFFFFE003, lr  }
0x1b: {  	s9 =	sadd.s32 $0xFFFFFEF7, lr;
	s5 =	simm.s32 $0xFFFFFFFF;
	p2 =	slt.u32 s8, $0xFFFFF086  }
0x1c: {  	p1 =	slt.u32 s9, $0xF7A;
	s5 =	simm.s32 @!p2 $0x0  }
0x1d: {  	s5 =	simm.s32 @p1 $0x1;
	p0 =	seq.s32 s7, s2  }
0x1e: {  	s7 =	smul.u32 @!p0 $0xF7A, s2;
	p2 =	seq.s32 @!p0 s5, $0x0  }
0x1f: {  	s9 =	smul.u32 $0xF7A, s1;
	s8 =	simm.s32 @!p0 $0x1BF5;
	p2 =	por !p2, p0  }
0x20: {  	[sflag:s8] =	ssyncset.s32 @!p0 $0xFFFFF086;
	s6 =	sadd.s32 @!p0 s3, s7;
	s7 =	simm.s32 @!p0 $0x108  }
0x21: {  	s3 =	sadd.s32 s3, s9;
	s6 =	sadd.s32 @!p0 $0x88, s6;
	s7 =	simm.s32 @p2 $0x1082  }
0x22: {  	[simem:s7], [sflag:s8] =	dma.local @!p0 [hbm:s6], $0xF7A  }
0x23: {  	s9 =	sor.u32 $0xD0000000, s2;
	s6 =	simm.s32 $0x108;
	_ =	swait.ge @!p0 [sflag:s8], $0x0  }
0x24: {  	s3 =	sadd.s32 $0x88, s3;
	s6 =	simm.s32 @!p1 $0x1082;
	[sflag:s4] =	ssyncset.s32 $0xFFFFF086  }
0x25: {  	[simem:s6], [sflag:s4] =	dma.local [hbm:s3], $0xF7A  }
0x26: {  	[smem:$0x3F9F] =	sst s1;
	(tag) =	ssettag s2;
	_ =	strace s9  }
0x27: {  	s1 =	sld [smem:$0x3FAF]  }
0x28: {  	s2 =	sld [smem:$0x3FB0]  }
0x29: {  	s4 =	sld [smem:$0x3FB2]  }
0x2a: {  	p0 =	seq.s32 s5, $0x0;
	s5 =	sld [smem:$0x3FB3]  }
0x2b: {  	s6 =	sld [smem:$0x3FB4]  }
0x2c: {  	s7 =	sld [smem:$0x3FB5]  }
0x2d: {  	s3 =	simm.s32 $0x108;
	s8 =	sld [smem:$0x3FB6]  }
0x2e: {  	s3 =	simm.s32 @!p0 $0x1082;
	s9 =	sld [smem:$0x3FB7]  }
0x2f: {  	lr =	sadd.s32 s0, s3;
	s0 =	sld [smem:$0x3FAE]  }
0x30: {  	s3 =	sld [smem:$0x3FB1]  }
0x31: {  	[smem:$0x3FBA] =	sst s10  }
0x32: {  	s10 =	sld [smem:$0x3FB8];
	_ =	sdelay $0x3  }
0x33: {  	p0 =	seq.s32 s10, $0x1;
	s10 =	sld [smem:$0x3FBA];
	_ =	sdelay $0x3  }
0x34: {  	[smem:$0x3FBA] =	sst s10  }
0x35: {  	s10 =	sld [smem:$0x3FB9];
	_ =	sdelay $0x3  }
0x36: {  	p1 =	seq.s32 s10, $0x1;
	s10 =	sld [smem:$0x3FBA];
	_ =	sdelay $0x3  }
0x37: {  	[smem:$0x3FBA] =	sst s10  }
0x38: {  	s10 =	sld [smem:$0x3FBB]  }
0x39: {  	_ = 	snop;
	(pc) =	sbr.ind lr, $3  }
0x3a: {  	_ = 	snop  }
0x3b: {  	_ = 	snop  }
0x3c: {  	p2 =	seq.s32 s10, $0x1;
	s10 =	sld [smem:$0x3FBA]  }
0x3d: {  	_ =	shalt  }
0x3e: {  	_ =	shalt  }
0x3f: {  	_ =	shalt  }
0x40: {  	_ =	shalt  }
0x41: {  	_ =	shalt  }
0x42: {  	_ =	shalt  }
0x43: {  	_ =	shalt  }
0x44: {  	_ =	shalt  }
0x45: {  	_ =	shalt  }
0x46: {  	_ =	shalt  }
0x47: {  	_ =	shalt  }
0x48: {  	_ =	shalt  }
0x49: {  	_ =	shalt  }
0x4a: {  	_ =	shalt  }
0x4b: {  	_ =	shalt  }
0x4c: {  	_ =	shalt  }
0x4d: {  	_ =	shalt  }
0x4e: {  	_ =	shalt  }
0x4f: {  	_ =	shalt  }
0x50: {  	_ =	shalt  }
0x51: {  	_ =	shalt  }
0x52: {  	_ =	shalt  }
0x53: {  	_ =	shalt  }
0x54: {  	_ =	shalt  }
0x55: {  	_ =	shalt  }
0x56: {  	_ =	shalt  }
0x57: {  	_ =	shalt  }
0x58: {  	_ =	shalt  }
0x59: {  	_ =	shalt  }
0x5a: {  	_ =	shalt  }
0x5b: {  	_ =	shalt  }
0x5c: {  	_ =	shalt  }
0x5d: {  	_ =	shalt  }
0x5e: {  	_ =	shalt  }
0x5f: {  	_ =	shalt  }
0x60: {  	_ =	shalt  }
0x61: {  	_ =	shalt  }
0x62: {  	_ =	shalt  }
0x63: {  	_ =	shalt  }
0x64: {  	_ =	shalt  }
0x65: {  	_ =	shalt  }
0x66: {  	_ =	shalt  }
0x67: {  	_ =	shalt  }
0x68: {  	_ =	shalt  }
0x69: {  	_ =	shalt  }
0x6a: {  	_ =	shalt  }
0x6b: {  	_ =	shalt  }
0x6c: {  	_ =	shalt  }
0x6d: {  	_ =	shalt  }
0x6e: {  	_ =	shalt  }
0x6f: {  	_ =	shalt  }
0x70: {  	_ =	shalt  }
0x71: {  	_ =	shalt  }
0x72: {  	_ =	shalt  }
0x73: {  	_ =	shalt  }
0x74: {  	_ =	shalt  }
0x75: {  	_ =	shalt  }
0x76: {  	_ =	shalt  }
0x77: {  	_ =	shalt  }
0x78: {  	_ =	shalt  }
0x79: {  	_ =	shalt  }
0x7a: {  	_ =	shalt  }
0x7b: {  	_ =	shalt  }
0x7c: {  	_ =	shalt  }
0x7d: {  	_ =	shalt  }
0x7e: {  	_ =	shalt  }
0x7f: {  	_ =	shalt  }
0x80: {  	_ =	shalt  }
0x81: {  	_ =	shalt  }
0x82: {  	_ =	shalt  }
0x83: {  	_ =	shalt  }
0x84: {  	_ =	shalt  }
0x85: {  	_ =	shalt  }
0x86: {  	_ =	shalt  }
0x87: {  	_ =	shalt  }
.Lfunc_end0:
.L_simem_size_0:
called_computation_lowered:
.L_overlay_start_0:
0x88: {  	s2 =	sld [smem:$0x3FD9]  }
0x89: {  	s3 =	sld [smem:$0x3FFE];
	_ =	sdelay $0x1  }
0x8a: {  	s1 =	srdreg.scid  }
0x8b: {  	s0 =	sand.u32 $0x1, s1  }
0x8c: {  	s16 =	sshll.u32 s0, $0xA;
	s2 =	sadd.s32 s3, s2  }
0x8d: {  	s2 =	sadd.s32 s2, s16  }
0x8e: {  	[smem:$0x3FC6] =	sst s2  }
0x8f: {  	_ = 	snop  }
0x90: {  	(tm) =	ssettm $0x1  }
0x91: {  	s17 =	sld [smem:$0x3FFB];
	_ =	sdelay $0x3  }
0x92: {  	_ =	strace s17  }
0x93: {  	s2 =	sld [smem:$0x3FFC];
	_ =	sdelay $0x3  }
0x94: {  	_ =	strace s2  }
0x95: {  	s2 =	sld [smem:$0x3FFD];
	_ =	sdelay $0x3  }
0x96: {  	_ =	strace s2  }
0x97: {  	_ =	strace $0x8FFFFFFF  }
0x98: {  	s18 =	sld [smem:$0x3FDB];
	_ =	sdelay $0x1  }
0x99: {  	s19 =	simm.s32 $_scs_section_size  }
0x9a: {  	s4 =	simm.s32 $_size__tile_overlayer_lowered;
	s5 =	simm.s32 $_tile_overlayer_lowered  }
0x9b: {  	s22 =	simm.s32 $0x1BFF;
	s21 =	sshll.u32 s5, $0x1;
	s2 =	sadd.s32 s19, s18  }
0x9c: {  	s6 =	simm.s32 $0x0;
	s20 =	sshll.u32 s4, $0x1;
	s4 =	sadd.s32 s21, s2  }
0x9d: {  	[timem:s6], [sflag:s22] =	dma.local [hbm:s4], s20  }
0x9e: {  	_ =	swait.ge [sflag:s22], s20  }
0x9f: {  	s3 =	ssub.s32 $0x0, s20;
	[sflag:s22] =	ssyncset.done $0x0  }
0xa0: {  	[sflag:s22] =	ssyncadd.s32 s3;
	_ =	sdelay $0x1  }
0xa1: {  	s23 =	simm.s32 $0x1B8B  }
0xa2: {  	_ =	swait.ge [sflag:s23], $0x1  }
0xa3: {  	[sflag:s23] =	ssyncset.done $0x0  }
0xa4: {  	s25 =	simm.s32 $0x1B8E;
	s24 =	sld [smem:$0x3FFE];
	[sflag:s23] =	ssyncadd.s32 $0xFFFFFFFF  }
0xa5: {  	s26 =	simm.s32 $execute0_lowered;
	[smem:$0x3FD2] =	sst s25  }
0xa6: {  	s4 =	sshll.u32 s26, $0x1;
	_ =	strace $0x80000046;
	[dreg:$0x1] =	wrdreg $0xFFFFFFFF  }
0xa7: {  	s28 =	simm.s32 $_size_execute0_lowered;
	s2 =	sadd.s32 s2, s4;
	[dreg:$0x0] =	wrdreg $0x0  }
0xa8: {  	s4 =	sshll.u32 s28, $0x1;
	[dreg:$0x2] =	wrdreg s2  }
0xa9: {  	[dreg:$0x3] =	wrdreg s4  }
0xaa: {  	[dreg:$0x4] =	wrdreg $0xC0  }
0xab: {  	_ =	task [dreg:s6], $0x5FFFF  }
0xac: {  	[dreg:$0x1] =	wrdreg $0xFFFFFFFF  }
0xad: {  	[dreg:$0x0] =	wrdreg $0x60  }
0xae: {  	[dreg:$0x2] =	wrdreg s24  }
0xaf: {  	[dreg:$0x3] =	wrdreg $0x9  }
0xb0: {  	_ =	task.clear_ibuf [dreg:s6], $0x4FFFF;
	_ =	strace $0x90000046  }
0xb1: {  	s29 =	simm.s32 $0x9;
	_ =	strace $0x80000048  }
0xb2: {  	_ =	swait.ge [sflag:s29], $0x1  }
0xb3: {  	[sflag:s29] =	ssyncadd.s32 $0xFFFFFFFF  }
0xb4: {  	_ =	strace $0x90000048  }
0xb5: {  	_ =	sfence  }
0xb6: {  	s30 =	sld [smem:$0x0];
	_ =	sdelay $0x2  }
0xb7: {  	s31 =	sshll.u32 s1, $0xD;
	s1 =	sshrl.u32 s1, $0x2  }
0xb8: {  	s3 =	sand.u32 $0x4000, s31;
	s1 =	sadd.s32 s1, s30  }
0xb9: {  	s0 =	sor.u32 s3, s0;
	s1 =	sshll.u32 s1, $0x11  }
0xba: {  	s0 =	sor.u32 s1, s0  }
0xbb: {  	s0 =	sadd.s32 $0x8F2B, s0  }
0xbc: {  	[sflag:s0] =	ssyncadd.remote.s32 $0x1  }
0xbd: {  	_ =	sfence.sel $0xFFFF  }
0xbe: {  	[dreg:$0x0] =	wrdreg $0xFFFFFFFF;
	(pc) =	sbr.abs _section_cstart, $3  }
0xbf: {  	[dreg:$0x1] =	wrdreg $0xFFFFFFFF  }
0xc0: {  	_ =	task.clear_ibuf [dreg:s6], $0x2FFFF;
	_ =	strace $0x9FFFFFFF  }
0xc1: {  	(tm) =	ssettm $0x7FFFFFFF  }
tec
execute0_lowered:
.L_overlay_start_1:
0x0: {  	(tag) =	ssettag $0x1  }
0x1: {  	s1 =	stileid.u32  }
0x2: {  	p0 =	sgt.u32 s1, $0x7  }
.Ltmp0:
0x3: {  	_ = 	snop;
	(pc) =	sbr.rel @p0 .LBB2_4-.Ltmp0, $4  }
0x4: {  	_ = 	snop  }
0x5: {  	s11 =	rddreg [dreg:$0x0];
	s2 =	simm.s32 $0x0  }
0x6: {  	[smem:$0x7FF] =	sst s2  }
0x7: {  	s0 =	rddreg [dreg:$0x1];
	_ =	strace $0x80000047  }
0x8: {  	s3 =	srdreg.scid  }
0x9: {  	s12 =	sand.u32 $0x1, s3  }
0xa: {  	s30 =	sshll.u32 s1, $0x2;
	s4 =	sshll.u32 s12, $0x1  }
0xb: {  	s5 =	sadd.s32 $0xE00, s11;
	s13 =	sor.u32 s4, s30  }
0xc: {  	s3 =	simm.s32 $0x1;
	s4 =	sadd.s32 s5, s13  }
0xd: {  	[tilespmem:s2], [sflag:$0x1] =	stream.linear.gather [hbm4b:s4+s2], $0x10, $0x38;
	[tilespmem:$0x100] =	vst v63  }
0xe: {  	_ =	swait.ge [sflag:s3], $0x10  }
0xf: {  	s9 =	sadd.s32 s13, s5;
	[sflag:s3] =	ssyncset.done $0x0  }
0x10: {  	s6 =	simm.s32 $0x10;
	s5 =	sadd.s32 $0x20, s9;
	[sflag:s3] =	ssyncadd.s32 $0xFFFFFFF0  }
0x11: {  	[tilespmem:s6], [sflag:$0x1] =	stream.linear.gather [hbm4b:s5+s2], $0x10, $0x38;
	[tilespmem:$0x100] =	vst v63  }
0x12: {  	_ =	swait.ge [sflag:s3], $0x10  }
0x13: {  	[sflag:s3] =	ssyncset.done $0x0  }
0x14: {  	s8 =	simm.s32 $0x20;
	s7 =	sadd.s32 $0x40, s9;
	[sflag:s3] =	ssyncadd.s32 $0xFFFFFFF0  }
0x15: {  	[tilespmem:s8], [sflag:$0x1] =	stream.linear.gather [hbm4b:s7+s2], $0x10, $0x38;
	[tilespmem:$0x100] =	vst v63  }
0x16: {  	_ =	swait.ge [sflag:s3], $0x10  }
0x17: {  	[sflag:s3] =	ssyncset.done $0x0  }
0x18: {  	s10 =	simm.s32 $0x30;
	s9 =	sadd.s32 $0x60, s9;
	[sflag:s3] =	ssyncadd.s32 $0xFFFFFFF0  }
0x19: {  	[tilespmem:s10], [sflag:$0x1] =	stream.linear.gather [hbm4b:s9+s2], $0x10, $0x38;
	[tilespmem:$0x100] =	vst v63  }
0x1a: {  	_ =	swait.ge [sflag:s3], $0x10  }
0x1b: {  	[sflag:s3] =	ssyncset.done $0x0  }
0x1c: {  	[sflag:s3] =	ssyncadd.s32 $0xFFFFFFF0  }
0x1d: {  	v1 =	vld [tilespmem:$0x20]  }
0x1e: {  	v2 =	vld [tilespmem:$0x30];
	_ =	sdelay $0x3  }
0x1f: {  	v3 =	vadd.f32 $-5.000000070e-02, v1;
	v4 =	vadd.f32 $-1.099999990e-01, v1  }
0x20: {  	s12 =	ssub.s32 $0x2, s12;
	v5 =	vadd.f32 $-7.000000030e-02, v2;
	v7 =	vadd.f32 $-3.000000120e-01, v2  }
0x21: {  	v0 =	vimm.s32 $0x0;
	s14 =	sshrl.u32 s12, $0x1;
	v6 =	vld [tilespmem:$0x0];
	v8 =	vadd.f32 $-1.500000060e-01, v2;
	v10 =	vadd.f32 $-2.000000030e-01, v1  }
0x22: {  	s12 =	ssub.s32 s12, s14;
	v9 =	vld [tilespmem:$0x10];
	v11 =	vadd.f32 $-3.499999940e-01, v1;
	v3 =	vmul.f32 v3, v3;
	v4 =	vmul.f32 v4, v4  }
0x23: {  	s14 =	smax.u32 s12, $0x1;
	v12 =	vadd.f32 $-5.000000000e-01, v2;
	v5 =	vmul.f32 v5, v5;
	v7 =	vmul.f32 v7, v7  }
0x24: {  	p0 =	sne.s32 s14, $0x1;
	v1 =	vadd.f32 $-6.999999880e-01, v1;
	v8 =	vmul.f32 v8, v8;
	v10 =	vmul.f32 v10, v10  }
.Ltmp1:
0x25: {  	v13 =	vadd.f32 $-8.000000110e-01, v2;
	v11 =	vmul.f32 v11, v11;
	v12 =	vmul.f32 v12, v12;
	(pc) =	sbr.rel @!p0 .LBB2_3-.Ltmp1, $4  }
0x26: {  	v6 =	vmul.f32 $5.200000000e+01, v6;
	v14 =	vadd.f32 v5, v3;
	v8 =	vadd.f32 v8, v4  }
0x27: {  	v9 =	vmul.f32 $5.200000000e+01, v9;
	v3 =	vadd.f32 v7, v10;
	v2 =	vadd.f32 v12, v11  }
0x28: {  	s31 =	sadd.s32 s13, s11;
	v5 =	vtrunc.f32 v6;
	v4 =	vmul.f32 v13, v13;
	vm0 =	vgt.f32 v8, v14  }
0x29: {  	s11 =	sadd.s32 $0x1000, s31;
	s12 =	simm.s32 $0x80;
	s13 =	sadd.s32 $0xFFFFFFFF, s14;
	v7 =	vtrunc.f32 v9;
	v5 =	vcvt.f32.s32 v5;
	v6 =	vsel vm0, v8, v14  }
.LBB2_2:
0x2a: {  	p0 =	sne.s32 s13, $0x1;
	s13 =	sadd.s32 $0xFFFFFFFF, s13;
	vm1 =	vgt.f32 v3, v6;
	v1 =	vmul.f32 v1, v1  }
0x2b: {  	v7 =	vcvt.f32.s32 v7;
	v3 =	vsel vm1, v3, v6;
	v5 =	vmul.u32 $0x34, v5  }
0x2c: {  	v6 =	vsel vm0, $0x1, v0;
	vm0 =	vgt.f32 v2, v3;
	v1 =	vadd.f32 v4, v1  }
0x2d: {  	v4 =	vsel vm1, $0x2, v6;
	v2 =	vsel vm0, v2, v3;
	v3 =	vadd.s32 v7, v5  }
0x2e: {  	v4 =	vsel vm0, $0x3, v4;
	vm0 =	vgt.f32 v1, v2;
	v1 =	vmul.u32 $0x5, v3  }
0x2f: {  	v2 =	vsel vm0, $0x4, v4  }
0x30: {  	v1 =	vadd.s32 v1, v2  }
0x31: {  	[tilespmem:$0x80] =	vst v1  }
0x32: {  	[hbm4b:s11+s2] =	stream.linear.scatter [tilespmem:s12], [sflag:$0x1], $0x10, $0x38;
	[tilespmem:$0x100] =	vst v63  }
0x33: {  	_ =	swait.ge [sflag:s3], $0x10  }
0x34: {  	[sflag:s3] =	ssyncset.done $0x0  }
0x35: {  	[sflag:s3] =	ssyncadd.s32 $0xFFFFFFF0  }
0x36: {  	[tilespmem:s2], [sflag:$0x1] =	stream.linear.gather [hbm4b:s4+s2], $0x10, $0x38;
	[tilespmem:$0x100] =	vst v63  }
0x37: {  	_ =	swait.ge [sflag:s3], $0x10  }
0x38: {  	[sflag:s3] =	ssyncset.done $0x0  }
0x39: {  	[sflag:s3] =	ssyncadd.s32 $0xFFFFFFF0  }
0x3a: {  	[tilespmem:s6], [sflag:$0x1] =	stream.linear.gather [hbm4b:s5+s2], $0x10, $0x38;
	[tilespmem:$0x100] =	vst v63  }
0x3b: {  	_ =	swait.ge [sflag:s3], $0x10  }
0x3c: {  	[sflag:s3] =	ssyncset.done $0x0  }
0x3d: {  	[sflag:s3] =	ssyncadd.s32 $0xFFFFFFF0  }
0x3e: {  	[tilespmem:s8], [sflag:$0x1] =	stream.linear.gather [hbm4b:s7+s2], $0x10, $0x38;
	[tilespmem:$0x100] =	vst v63  }
0x3f: {  	_ =	swait.ge [sflag:s3], $0x10  }
0x40: {  	[sflag:s3] =	ssyncset.done $0x0  }
0x41: {  	[sflag:s3] =	ssyncadd.s32 $0xFFFFFFF0  }
0x42: {  	[tilespmem:s10], [sflag:$0x1] =	stream.linear.gather [hbm4b:s9+s2], $0x10, $0x38;
	[tilespmem:$0x100] =	vst v63  }
0x43: {  	_ =	swait.ge [sflag:s3], $0x10  }
0x44: {  	[sflag:s3] =	ssyncset.done $0x0  }
0x45: {  	[sflag:s3] =	ssyncadd.s32 $0xFFFFFFF0  }
0x46: {  	v2 =	vld [tilespmem:$0x20]  }
0x47: {  	v3 =	vld [tilespmem:$0x30]  }
0x48: {  	v4 =	vld [tilespmem:$0x10]  }
0x49: {  	v5 =	vld [tilespmem:$0x0];
	_ =	sdelay $0x1  }
0x4a: {  	v1 =	vadd.f32 $-5.000000070e-02, v2;
	v6 =	vadd.f32 $-1.099999990e-01, v2  }
0x4b: {  	v7 =	vadd.f32 $-7.000000030e-02, v3;
	v8 =	vadd.f32 $-3.000000120e-01, v3  }
0x4c: {  	v10 =	vadd.f32 $-1.500000060e-01, v3;
	v9 =	vmul.f32 v1, v1;
	v6 =	vmul.f32 v6, v6  }
0x4d: {  	v11 =	vadd.f32 $-2.000000030e-01, v2;
	v1 =	vadd.f32 $-6.999999880e-01, v2;
	v7 =	vmul.f32 v7, v7  }
0x4e: {  	v12 =	vadd.f32 $-5.000000000e-01, v3;
	v2 =	vadd.f32 $-3.499999940e-01, v2;
	v8 =	vmul.f32 v8, v8  }
0x4f: {  	v11 =	vmul.f32 v11, v11;
	v10 =	vmul.f32 v10, v10  }
.Ltmp2:
0x50: {  	v13 =	vadd.f32 $-8.000000110e-01, v3;
	v12 =	vmul.f32 v12, v12;
	v2 =	vmul.f32 v2, v2;
	(pc) =	sbr.rel @p0 .LBB2_2-.Ltmp2, $4  }
0x51: {  	v5 =	vmul.f32 $5.200000000e+01, v5;
	v9 =	vadd.f32 v7, v9;
	v6 =	vadd.f32 v10, v6  }
0x52: {  	v7 =	vmul.f32 $5.200000000e+01, v4;
	v3 =	vadd.f32 v8, v11;
	v2 =	vadd.f32 v12, v2  }
0x53: {  	v5 =	vtrunc.f32 v5;
	v4 =	vmul.f32 v13, v13;
	vm0 =	vgt.f32 v6, v9  }
0x54: {  	v5 =	vcvt.f32.s32 v5;
	v7 =	vtrunc.f32 v7;
	v6 =	vsel vm0, v6, v9  }
.LBB2_3:
0x55: {  	vm1 =	vgt.f32 v3, v6;
	v1 =	vmul.f32 v1, v1  }
0x56: {  	v7 =	vcvt.f32.s32 v7;
	v3 =	vsel vm1, v3, v6;
	v5 =	vmul.u32 $0x34, v5  }
0x57: {  	v0 =	vsel vm0, $0x1, v0;
	vm14 =	vgt.f32 v2, v3;
	v1 =	vadd.f32 v4, v1  }
0x58: {  	v0 =	vsel vm1, $0x2, v0;
	v2 =	vsel vm14, v2, v3;
	v62 =	vadd.s32 v7, v5  }
0x59: {  	v0 =	vsel vm14, $0x3, v0;
	vm15 =	vgt.f32 v1, v2;
	v63 =	vmul.u32 $0x5, v62  }
0x5a: {  	v0 =	vsel vm15, $0x4, v0  }
0x5b: {  	v0 =	vadd.s32 v63, v0  }
0x5c: {  	[tilespmem:$0x80] =	vst v0  }
0x5d: {  	[hbm4b:s11+s2] =	stream.linear.scatter [tilespmem:s12], [sflag:$0x1], $0x10, $0x38;
	[tilespmem:$0x100] =	vst v63  }
0x5e: {  	_ =	swait.ge [sflag:s3], $0x10  }
0x5f: {  	[sflag:s3] =	ssyncset.done $0x0  }
0x60: {  	[sflag:s3] =	ssyncadd.s32 $0xFFFFFFF0  }
.LBB2_4:
0x61: {  	_ =	sfence.sel $0x180000  }
0x62: {  	[bflag:$0x0] =	sbarrier.arrive $0xFFFF  }
0x63: {  	p0 =	sne.s32 s1, $0x0;
	_ =	strace $0x90000047  }
0x64: {  	s0 =	sadd.s32 @!p0 $0x100000, s0;
	[bflag:$0x2] =	sbarrier.arrive $0xFFFF  }
0x65: {  	[sflag:s0] =	ssyncadd.tile.s32 @!p0 $0x1;
	_ =	shalt  }
.Lfunc_end2:
_tile_overlayer_lowered:
.L_overlay_start_2:
0x66: {  	(tag) =	ssettag $0x2  }
0x67: {  	s0 =	rddreg [dreg:$0x0];
	s2 =	stileid.u32  }
0x68: {  	s1 =	rddreg [dreg:$0x1];
	p0 =	sne.s32 s2, $0x0  }
0x69: {  	s3 =	rddreg [dreg:$0x2];
	[bflag:$0x3] =	sbarrier.arrive $0xFFFF;
	s2 =	simm.s32 @!p0 $0x1C01  }
0x6a: {  	[timem:s3], [sflag:s2] =	dma.local @!p0 [hbm:s0], s1  }
0x6b: {  	s0 =	simm.s32 @!p0 $0x1  }
0x6c: {  	_ =	swait.ge @!p0 [sflag:s0], s1  }
0x6d: {  	s1 =	ssub.s32 @!p0 $0x0, s1;
	[sflag:s0] =	ssyncset.done @!p0 $0x0  }
0x6e: {  	[sflag:s0] =	ssyncadd.s32 @!p0 s1  }
0x6f: {  	[bflag:$0x3] =	sbarrier.arrive $0xFFFF  }
0x70: {  	_ =	shalt  }

</sc_bundles>
